<compile_context>
chip_gen: v7x
topology: tpu7x:2x2x1
jax: 0.10.2.dev20260603
libtpu: 0.0.44.dev20260713+nightly
codegen_flags: <defaults>
</compile_context>

<pallas_src>
import functools

import jax
import jax.numpy as jnp
from jax import lax
from jax.experimental import pallas as pl
from jax.experimental.pallas import tpu as pltpu
from jax.experimental.pallas import tpu_sc as plsc

_NC = 2
_NS = 16
_CH = 128


def _xt_body(x_ref, w_ref, b_ref, o_ref):
    acc = lax.dot_general(x_ref[...], w_ref[0],
                          (((1,), (1,)), ((), ())),
                          preferred_element_type=jnp.float32)
    o_ref[0] = acc + b_ref[0, 0]


def _final_body(x_ref, w_ref, p_ref, b_ref, o_ref):
    acc = lax.dot_general(x_ref[...], w_ref[...],
                          (((1,), (1,)), ((), ())),
                          preferred_element_type=jnp.float32)
    acc = acc + p_ref[0] + p_ref[1] + b_ref[...]
    o_ref[...] = jnp.maximum(acc, 0.0)


def _sc_gather_scatter(xt_flat, gidx, dst, zeros, acc_rows, d):
    nch = gidx.shape[1]
    zr = acc_rows // _NS
    mesh = plsc.VectorSubcoreMesh(core_axis_name="c", subcore_axis_name="s")

    @functools.partial(
        pl.kernel,
        out_type=jax.ShapeDtypeStruct((_NC, acc_rows, d), jnp.float32),
        mesh=mesh,
        scratch_types=[
            pltpu.VMEM((nch, _CH), jnp.int32),
            pltpu.VMEM((2, _CH), jnp.int32),
            pltpu.VMEM((2, _CH, d), jnp.float32),
            pltpu.VMEM_SHARED((acc_rows, d), jnp.float32),
            (pltpu.SemaphoreType.DMA, pltpu.SemaphoreType.DMA),
            (pltpu.SemaphoreType.DMA, pltpu.SemaphoreType.DMA),
            (pltpu.SemaphoreType.DMA, pltpu.SemaphoreType.DMA),
        ],
    )
    def k(xt_hbm, gidx_hbm, dst_hbm, z_hbm, out_hbm,
          gidx_v, dst_v, rows_v, acc_sh, gsems, dsems, ssems):
        c = lax.axis_index("c")
        s = lax.axis_index("s")
        wid = c * _NS + s
        pltpu.sync_copy(z_hbm, acc_sh.at[pl.ds(s * zr, zr)])
        pltpu.sync_copy(gidx_hbm.at[wid], gidx_v)
        plsc.subcore_barrier()

        def gather(j, b):
            pltpu.async_copy(dst_hbm.at[wid, j], dst_v.at[b], dsems[b])
            pltpu.async_copy(xt_hbm.at[gidx_v.at[j]], rows_v.at[b], gsems[b])

        def step(j, b):
            pltpu.make_async_copy(xt_hbm.at[pl.ds(0, _CH)],
                                  rows_v.at[b], gsems[b]).wait()
            pltpu.make_async_copy(dst_hbm.at[wid, 0], dst_v.at[b],
                                  dsems[b]).wait()
            pltpu.async_copy(rows_v.at[b], acc_sh.at[dst_v.at[b]],
                             ssems[b], add=True)
            pltpu.make_async_copy(xt_hbm.at[pl.ds(0, _CH)],
                                  rows_v.at[b], ssems[b]).wait()

            @pl.when(j + 2 < nch)
            def _():
                gather(j + 2, b)

        gather(0, 0)
        gather(1, 1)

        @pl.loop(0, nch // 2)
        def _(g):
            step(g * 2, 0)
            step(g * 2 + 1, 1)

        plsc.subcore_barrier()
        pltpu.sync_copy(acc_sh.at[pl.ds(s * zr, zr)],
                        out_hbm.at[c, pl.ds(s * zr, zr)])

    return k(xt_flat, gidx, dst, zeros)


def kernel(_input, dependency_triples, W_self, b_self, W_dep, b_dep):
    n, d = _input.shape
    two_l = W_dep.shape[0]
    nl = two_l // 2
    e = dependency_triples.shape[0]

    dep = dependency_triples[:, 0]
    lbl = jnp.mod(dependency_triples[:, 1], nl)
    gov = dependency_triples[:, 2]
    gidx = jnp.concatenate([lbl * n + gov, (lbl + nl) * n + dep])
    dst = jnp.concatenate([dep, gov])

    nw = _NC * _NS
    nch = pl.cdiv(2 * e, nw * _CH)
    nch += nch % 2
    per_w = nch * _CH
    pad = per_w * nw - 2 * e
    acc_rows = (n // (8 * _NS) + 1) * (8 * _NS)
    pad_i = jnp.arange(pad, dtype=jnp.int32)
    gidx = jnp.concatenate([gidx, pad_i % (two_l * n)])
    dst = jnp.concatenate([dst, n + pad_i % (acc_rows - n)])
    gidx = gidx.reshape(nw, nch, _CH)
    dst = dst.reshape(nw, nch, _CH)
    zeros = jnp.zeros((acc_rows // _NS, d), jnp.float32)

    bn = 2000
    bnx = 10000
    xt = pl.pallas_call(
        _xt_body,
        grid=(n // bnx, two_l),
        in_specs=[
            pl.BlockSpec((bnx, d), lambda i, j: (i, 0)),
            pl.BlockSpec((1, d, d), lambda i, j: (j, 0, 0)),
            pl.BlockSpec((1, 1, d), lambda i, j: (j, 0, 0)),
        ],
        out_specs=pl.BlockSpec((1, bnx, d), lambda i, j: (j, i, 0)),
        out_shape=jax.ShapeDtypeStruct((two_l, n, d), jnp.float32),
    )(_input.astype(jnp.bfloat16), W_dep.astype(jnp.bfloat16),
      b_dep.reshape(two_l, 1, d))

    parts = _sc_gather_scatter(xt.reshape(two_l * n, d), gidx, dst,
                               zeros, acc_rows, d)

    out = pl.pallas_call(
        _final_body,
        grid=(n // bn,),
        in_specs=[
            pl.BlockSpec((bn, d), lambda i: (i, 0)),
            pl.BlockSpec((d, d), lambda i: (0, 0)),
            pl.BlockSpec((_NC, bn, d), lambda i: (0, i, 0)),
            pl.BlockSpec((1, d), lambda i: (0, 0)),
        ],
        out_specs=pl.BlockSpec((bn, d), lambda i: (i, 0)),
        out_shape=jax.ShapeDtypeStruct((n, d), jnp.float32),
    )(_input, W_self, parts, b_self.reshape(1, d))
    return out

# --- scband reference (transcript-rebuilt; emitter-appended) ---
"""Pipeline reference for scband-dependency-gcnlayer-18098992185956 (READ-ONLY COPY).

The authoritative reference and input builder live on the scoring server;
editing this copy changes nothing except your own understanding.
"""

import jax, jax.numpy as jnp
import numpy as np

N = 10000   # input_dim == number of tokens/nodes
D = 128     # output_dim == feature dim
E = 160000  # number of dependency triples
L = 8       # number of base dependency labels; reverse_case doubles weight count to 2L


def setup_inputs(seed: int = 0) -> dict:
    key = jax.random.key(seed)
    k1, k2, k3, k4, k5 = jax.random.split(key, 5)
    x = jax.random.normal(k1, (N, D), dtype=jnp.float32)
    # triples: [dependent, dependency_label_id, governor]; label id taken mod L in reference
    triples = jax.random.randint(k2, (E, 3), 0, N, dtype=jnp.int32)
    W_self = 0.05 * jax.random.normal(k3, (D, D), dtype=jnp.float32)
    b_self = jnp.zeros((D,), dtype=jnp.float32)
    # 2L label weights: [0, L) forward labels, [L, 2L) reversed ('_r') labels
    W_dep = 0.05 * jax.random.normal(k4, (2 * L, D, D), dtype=jnp.float32)
    b_dep = jnp.zeros((2 * L, D), dtype=jnp.float32)
    return {"_input": x, "dependency_triples": triples, "W_self": W_self,
            "b_self": b_self, "W_dep": W_dep, "b_dep": b_dep}


def reference(_input, dependency_triples, W_self, b_self, W_dep, b_dep):
    dep_label = jnp.mod(dependency_triples[:, 1], L)
    dependent = dependency_triples[:, 0]
    governor = dependency_triples[:, 2]
    # self transform: temp_tensor[idx] = self.weights['self'](tk_emb)
    temp = _input @ W_self.T + b_self
    # precompute per-label transforms of every token: [2L, N, D]
    Xt = jnp.einsum('ni,loi->lno', _input, W_dep)
    # forward-direction message: temp[dependent] += W[label](x[governor])
    msg_fwd = Xt[dep_label, governor] + b_dep[dep_label]
    # reversed message (reverse_case=True): temp[governor] += W[label+'_r'](x[dependent])
    msg_rev = Xt[dep_label + L, dependent] + b_dep[dep_label + L]
    temp = temp.at[dependent].add(msg_fwd)
    temp = temp.at[governor].add(msg_rev)
    # activation (nn.ReLU); dropout treated as eval-mode identity
    return jnp.maximum(temp, 0.0)

if __name__ == "__main__":
    import jax
    _d = setup_inputs()
    print(jax.jit(kernel)(*tuple(_d.values())))

</pallas_src>

<mosaic_0001>
#map = affine_map<(d0, d1) -> (0, 0)>
#map1 = affine_map<(d0, d1) -> (0, 0, 0)>
module attributes {stable_mosaic.version = 14 : i64} {
  func.func @k(%arg0: i32, %arg1: i32, %arg2: memref<160000x128xf32, #tpu.memory_space<hbm>>, %arg3: memref<32x80x128xi32, #tpu.memory_space<hbm>>, %arg4: memref<32x80x128xi32, #tpu.memory_space<hbm>>, %arg5: memref<632x128xf32, #tpu.memory_space<hbm>>, %arg6: memref<2x10112x128xf32, #tpu.memory_space<hbm>>, %arg7: memref<80x128xi32, #tpu.memory_space<vmem>>, %arg8: memref<2x128xi32, #tpu.memory_space<vmem>>, %arg9: memref<2x128x128xf32, #tpu.memory_space<vmem>>, %arg10: memref<10112x128xf32, #tpu.memory_space<vmem_shared>>, %arg11: memref<!tpu.dma_semaphore, #tpu.memory_space<semaphore_mem>>, %arg12: memref<!tpu.dma_semaphore, #tpu.memory_space<semaphore_mem>>, %arg13: memref<!tpu.dma_semaphore, #tpu.memory_space<semaphore_mem>>, %arg14: memref<!tpu.dma_semaphore, #tpu.memory_space<semaphore_mem>>, %arg15: memref<!tpu.dma_semaphore, #tpu.memory_space<semaphore_mem>>, %arg16: memref<!tpu.dma_semaphore, #tpu.memory_space<semaphore_mem>>) attributes {dimension_semantics = [#tpu.dimension_semantics<core_parallel>, #tpu.dimension_semantics<subcore_parallel>], iteration_bounds = array<i64: 2, 16>, scalar_prefetch = 0 : i64, scratch_operands = 10 : i64, tpu.core_type = #tpu.core_type<sc_vector_subcore>, window_params = [{transform_indices = #map}, {transform_indices = #map1}, {transform_indices = #map1}, {transform_indices = #map}, {transform_indices = #map1}]} {
    %mul3A = arith.constant 16 : i32
    %mul3A_0 = arith.muli %arg0, %mul3A : i32
    %add3A = arith.addi %mul3A_0, %arg1 : i32
    %mul3A_1 = arith.constant 632 : i32
    %mul3A_2 = arith.muli %arg1, %mul3A_1 : i32
    "tpu.region"() ({
      %run_scoped3A = tpu.sem_alloc : memref<!tpu.dma_semaphore, #tpu.memory_space<semaphore_mem>>
      %dma_start3A_63 = arith.constant 0 : i32
      %dma_start3A_64 = tpu.memref_slice %arg10[%mul3A_2, %dma_start3A_63] : memref<10112x128xf32, #tpu.memory_space<vmem_shared>> -> memref<632x128xf32, #tpu.memory_space<vmem_shared>>
      tpu.enqueue_dma source(%arg5 : memref<632x128xf32, #tpu.memory_space<hbm>>) target(%dma_start3A_64 : memref<632x128xf32, #tpu.memory_space<vmem_shared>>) target_semaphore(%run_scoped3A : memref<!tpu.dma_semaphore, #tpu.memory_space<semaphore_mem>>)
      %dma_wait3A = arith.constant 0 : i32
      %dma_wait3A_65 = tpu.memref_slice %arg10[%mul3A_2, %dma_wait3A] : memref<10112x128xf32, #tpu.memory_space<vmem_shared>> -> memref<632x128xf32, #tpu.memory_space<vmem_shared>>
      tpu.wait_dma2 semaphore(%run_scoped3A : memref<!tpu.dma_semaphore, #tpu.memory_space<semaphore_mem>>) src(%arg5 : memref<632x128xf32, #tpu.memory_space<hbm>>) dst(%dma_wait3A_65 : memref<632x128xf32, #tpu.memory_space<vmem_shared>>)
      tpu.yield
    }) : () -> ()
    "tpu.region"() ({
      %run_scoped3A = tpu.sem_alloc : memref<!tpu.dma_semaphore, #tpu.memory_space<semaphore_mem>>
      %dma_start3A_63 = arith.constant 0 : i32
      %dma_start3A_64 = arith.constant 0 : i32
      %dma_start3A_65 = tpu.memref_slice %arg3[%add3A, %dma_start3A_63, %dma_start3A_64] : memref<32x80x128xi32, #tpu.memory_space<hbm>> -> memref<1x80x128xi32, #tpu.memory_space<hbm>>
      %dma_start3A_66 = tpu.memref_squeeze %dma_start3A_65 : memref<1x80x128xi32, #tpu.memory_space<hbm>> -> memref<80x128xi32, #tpu.memory_space<hbm>>
      %dma_start3A_67 = arith.constant 0 : i32
      %dma_start3A_68 = arith.constant 0 : i32
      %dma_start3A_69 = tpu.memref_slice %arg3[%add3A, %dma_start3A_67, %dma_start3A_68] : memref<32x80x128xi32, #tpu.memory_space<hbm>> -> memref<1x80x128xi32, #tpu.memory_space<hbm>>
      %dma_start3A_70 = tpu.memref_squeeze %dma_start3A_69 : memref<1x80x128xi32, #tpu.memory_space<hbm>> -> memref<80x128xi32, #tpu.memory_space<hbm>>
      tpu.enqueue_dma source(%dma_start3A_70 : memref<80x128xi32, #tpu.memory_space<hbm>>) target(%arg7 : memref<80x128xi32, #tpu.memory_space<vmem>>) target_semaphore(%run_scoped3A : memref<!tpu.dma_semaphore, #tpu.memory_space<semaphore_mem>>)
      %dma_wait3A = arith.constant 0 : i32
      %dma_wait3A_71 = arith.constant 0 : i32
      %dma_wait3A_72 = tpu.memref_slice %arg3[%add3A, %dma_wait3A, %dma_wait3A_71] : memref<32x80x128xi32, #tpu.memory_space<hbm>> -> memref<1x80x128xi32, #tpu.memory_space<hbm>>
      %dma_wait3A_73 = tpu.memref_squeeze %dma_wait3A_72 : memref<1x80x128xi32, #tpu.memory_space<hbm>> -> memref<80x128xi32, #tpu.memory_space<hbm>>
      %dma_wait3A_74 = arith.constant 0 : i32
      %dma_wait3A_75 = arith.constant 0 : i32
      %dma_wait3A_76 = tpu.memref_slice %arg3[%add3A, %dma_wait3A_74, %dma_wait3A_75] : memref<32x80x128xi32, #tpu.memory_space<hbm>> -> memref<1x80x128xi32, #tpu.memory_space<hbm>>
      %dma_wait3A_77 = tpu.memref_squeeze %dma_wait3A_76 : memref<1x80x128xi32, #tpu.memory_space<hbm>> -> memref<80x128xi32, #tpu.memory_space<hbm>>
      tpu.wait_dma2 semaphore(%run_scoped3A : memref<!tpu.dma_semaphore, #tpu.memory_space<semaphore_mem>>) src(%dma_wait3A_77 : memref<80x128xi32, #tpu.memory_space<hbm>>) dst(%arg7 : memref<80x128xi32, #tpu.memory_space<vmem>>)
      tpu.yield
    }) : () -> ()
    %barrier3A = arith.constant 0 : index
    tpu.barrier barrier_id(%barrier3A)
    %dma_start3A = arith.constant 0 : i32
    %dma_start3A_3 = arith.constant 0 : i32
    %dma_start3A_4 = arith.constant 0 : i32
    %dma_start3A_5 = tpu.memref_slice %arg8[%dma_start3A_3, %dma_start3A_4] : memref<2x128xi32, #tpu.memory_space<vmem>> -> memref<1x128xi32, #tpu.memory_space<vmem>>
    %dma_start3A_6 = tpu.memref_squeeze %dma_start3A_5 : memref<1x128xi32, #tpu.memory_space<vmem>> -> memref<128xi32, #tpu.memory_space<vmem>>
    %dma_start3A_7 = arith.constant 0 : i32
    %dma_start3A_8 = tpu.memref_slice %arg4[%add3A, %dma_start3A, %dma_start3A_7] : memref<32x80x128xi32, #tpu.memory_space<hbm>> -> memref<1x1x128xi32, #tpu.memory_space<hbm>>
    %dma_start3A_9 = tpu.memref_squeeze %dma_start3A_8 : memref<1x1x128xi32, #tpu.memory_space<hbm>> -> memref<128xi32, #tpu.memory_space<hbm>>
    %dma_start3A_10 = arith.constant 0 : i32
    %dma_start3A_11 = tpu.memref_slice %arg8[%dma_start3A_3, %dma_start3A_10] : memref<2x128xi32, #tpu.memory_space<vmem>> -> memref<1x128xi32, #tpu.memory_space<vmem>>
    %dma_start3A_12 = tpu.memref_squeeze %dma_start3A_11 : memref<1x128xi32, #tpu.memory_space<vmem>> -> memref<128xi32, #tpu.memory_space<vmem>>
    %dma_start3A_13 = arith.constant 0 : i32
    %dma_start3A_14 = tpu.memref_slice %arg4[%add3A, %dma_start3A, %dma_start3A_13] : memref<32x80x128xi32, #tpu.memory_space<hbm>> -> memref<1x1x128xi32, #tpu.memory_space<hbm>>
    %dma_start3A_15 = tpu.memref_squeeze %dma_start3A_14 : memref<1x1x128xi32, #tpu.memory_space<hbm>> -> memref<128xi32, #tpu.memory_space<hbm>>
    tpu.enqueue_dma source(%dma_start3A_15 : memref<128xi32, #tpu.memory_space<hbm>>) target(%dma_start3A_12 : memref<128xi32, #tpu.memory_space<vmem>>) target_semaphore(%arg13 : memref<!tpu.dma_semaphore, #tpu.memory_space<semaphore_mem>>)
    %dma_start3A_16 = arith.constant 0 : i32
    %dma_start3A_17 = arith.constant 0 : i32
    %dma_start3A_18 = arith.constant 0 : i32
    %dma_start3A_19 = arith.constant 0 : i32
    %dma_start3A_20 = tpu.memref_slice %arg9[%dma_start3A_17, %dma_start3A_18, %dma_start3A_19] : memref<2x128x128xf32, #tpu.memory_space<vmem>> -> memref<1x128x128xf32, #tpu.memory_space<vmem>>
    %dma_start3A_21 = tpu.memref_squeeze %dma_start3A_20 : memref<1x128x128xf32, #tpu.memory_space<vmem>> -> memref<128x128xf32, #tpu.memory_space<vmem>>
    %dma_start3A_22 = arith.constant 0 : i32
    %dma_start3A_23 = tpu.memref_slice %arg7[%dma_start3A_16, %dma_start3A_22] : memref<80x128xi32, #tpu.memory_space<vmem>> -> memref<1x128xi32, #tpu.memory_space<vmem>>
    %dma_start3A_24 = tpu.memref_squeeze %dma_start3A_23 : memref<1x128xi32, #tpu.memory_space<vmem>> -> memref<128xi32, #tpu.memory_space<vmem>>
    %dma_start3A_25 = arith.constant 0 : i32
    %dma_start3A_26 = arith.constant 0 : i32
    %dma_start3A_27 = tpu.memref_slice %arg2[%dma_start3A_25, %dma_start3A_26] : memref<160000x128xf32, #tpu.memory_space<hbm>> -> memref<160000x128xf32, #tpu.memory_space<hbm>>
    tpu.enqueue_indirect_dma source(%dma_start3A_27 : memref<160000x128xf32, #tpu.memory_space<hbm>>) target(%dma_start3A_21 : memref<128x128xf32, #tpu.memory_space<vmem>>) offsets(%dma_start3A_24 : memref<128xi32, #tpu.memory_space<vmem>>) semaphore(%arg11 : memref<!tpu.dma_semaphore, #tpu.memory_space<semaphore_mem>>)
    %dma_start3A_28 = arith.constant 1 : i32
    %dma_start3A_29 = arith.constant 1 : i32
    %dma_start3A_30 = arith.constant 0 : i32
    %dma_start3A_31 = tpu.memref_slice %arg8[%dma_start3A_29, %dma_start3A_30] : memref<2x128xi32, #tpu.memory_space<vmem>> -> memref<1x128xi32, #tpu.memory_space<vmem>>
    %dma_start3A_32 = tpu.memref_squeeze %dma_start3A_31 : memref<1x128xi32, #tpu.memory_space<vmem>> -> memref<128xi32, #tpu.memory_space<vmem>>
    %dma_start3A_33 = arith.constant 0 : i32
    %dma_start3A_34 = tpu.memref_slice %arg4[%add3A, %dma_start3A_28, %dma_start3A_33] : memref<32x80x128xi32, #tpu.memory_space<hbm>> -> memref<1x1x128xi32, #tpu.memory_space<hbm>>
    %dma_start3A_35 = tpu.memref_squeeze %dma_start3A_34 : memref<1x1x128xi32, #tpu.memory_space<hbm>> -> memref<128xi32, #tpu.memory_space<hbm>>
    %dma_start3A_36 = arith.constant 0 : i32
    %dma_start3A_37 = tpu.memref_slice %arg8[%dma_start3A_29, %dma_start3A_36] : memref<2x128xi32, #tpu.memory_space<vmem>> -> memref<1x128xi32, #tpu.memory_space<vmem>>
    %dma_start3A_38 = tpu.memref_squeeze %dma_start3A_37 : memref<1x128xi32, #tpu.memory_space<vmem>> -> memref<128xi32, #tpu.memory_space<vmem>>
    %dma_start3A_39 = arith.constant 0 : i32
    %dma_start3A_40 = tpu.memref_slice %arg4[%add3A, %dma_start3A_28, %dma_start3A_39] : memref<32x80x128xi32, #tpu.memory_space<hbm>> -> memref<1x1x128xi32, #tpu.memory_space<hbm>>
    %dma_start3A_41 = tpu.memref_squeeze %dma_start3A_40 : memref<1x1x128xi32, #tpu.memory_space<hbm>> -> memref<128xi32, #tpu.memory_space<hbm>>
    tpu.enqueue_dma source(%dma_start3A_41 : memref<128xi32, #tpu.memory_space<hbm>>) target(%dma_start3A_38 : memref<128xi32, #tpu.memory_space<vmem>>) target_semaphore(%arg14 : memref<!tpu.dma_semaphore, #tpu.memory_space<semaphore_mem>>)
    %dma_start3A_42 = arith.constant 1 : i32
    %dma_start3A_43 = arith.constant 1 : i32
    %dma_start3A_44 = arith.constant 0 : i32
    %dma_start3A_45 = arith.constant 0 : i32
    %dma_start3A_46 = tpu.memref_slice %arg9[%dma_start3A_43, %dma_start3A_44, %dma_start3A_45] : memref<2x128x128xf32, #tpu.memory_space<vmem>> -> memref<1x128x128xf32, #tpu.memory_space<vmem>>
    %dma_start3A_47 = tpu.memref_squeeze %dma_start3A_46 : memref<1x128x128xf32, #tpu.memory_space<vmem>> -> memref<128x128xf32, #tpu.memory_space<vmem>>
    %dma_start3A_48 = arith.constant 0 : i32
    %dma_start3A_49 = tpu.memref_slice %arg7[%dma_start3A_42, %dma_start3A_48] : memref<80x128xi32, #tpu.memory_space<vmem>> -> memref<1x128xi32, #tpu.memory_space<vmem>>
    %dma_start3A_50 = tpu.memref_squeeze %dma_start3A_49 : memref<1x128xi32, #tpu.memory_space<vmem>> -> memref<128xi32, #tpu.memory_space<vmem>>
    %dma_start3A_51 = arith.constant 0 : i32
    %dma_start3A_52 = arith.constant 0 : i32
    %dma_start3A_53 = tpu.memref_slice %arg2[%dma_start3A_51, %dma_start3A_52] : memref<160000x128xf32, #tpu.memory_space<hbm>> -> memref<160000x128xf32, #tpu.memory_space<hbm>>
    tpu.enqueue_indirect_dma source(%dma_start3A_53 : memref<160000x128xf32, #tpu.memory_space<hbm>>) target(%dma_start3A_47 : memref<128x128xf32, #tpu.memory_space<vmem>>) offsets(%dma_start3A_50 : memref<128xi32, #tpu.memory_space<vmem>>) semaphore(%arg12 : memref<!tpu.dma_semaphore, #tpu.memory_space<semaphore_mem>>)
    %scan3A = arith.constant 0 : i32
    %scan3A_54 = arith.constant 40 : i32
    %scan3A_55 = arith.addi %scan3A, %scan3A_54 : i32
    %scan3A_56 = arith.constant 1 : i32
    scf.for %scan3A_63 = %scan3A to %scan3A_55 step %scan3A_56  : i32 {
      %mul3A_64 = arith.constant 1 : i32
      %mul3A_65 = arith.muli %scan3A_63, %mul3A_64 : i32
      %add3A_66 = arith.constant 0 : i32
      %add3A_67 = arith.addi %add3A_66, %mul3A_65 : i32
      %mul3A_68 = arith.constant 2 : i32
      %mul3A_69 = arith.muli %add3A_67, %mul3A_68 : i32
      %dma_wait3A = arith.constant 0 : i32
      %dma_wait3A_70 = arith.constant 0 : i32
      %dma_wait3A_71 = arith.constant 0 : i32
      %dma_wait3A_72 = tpu.memref_slice %arg9[%dma_wait3A, %dma_wait3A_70, %dma_wait3A_71] : memref<2x128x128xf32, #tpu.memory_space<vmem>> -> memref<1x128x128xf32, #tpu.memory_space<vmem>>
      %dma_wait3A_73 = tpu.memref_squeeze %dma_wait3A_72 : memref<1x128x128xf32, #tpu.memory_space<vmem>> -> memref<128x128xf32, #tpu.memory_space<vmem>>
      %dma_wait3A_74 = arith.constant 0 : i32
      %dma_wait3A_75 = arith.constant 0 : i32
      %dma_wait3A_76 = tpu.memref_slice %arg2[%dma_wait3A_74, %dma_wait3A_75] : memref<160000x128xf32, #tpu.memory_space<hbm>> -> memref<128x128xf32, #tpu.memory_space<hbm>>
      %dma_wait3A_77 = arith.constant 0 : i32
      %dma_wait3A_78 = arith.constant 0 : i32
      %dma_wait3A_79 = tpu.memref_slice %arg9[%dma_wait3A, %dma_wait3A_77, %dma_wait3A_78] : memref<2x128x128xf32, #tpu.memory_space<vmem>> -> memref<1x128x128xf32, #tpu.memory_space<vmem>>
      %dma_wait3A_80 = tpu.memref_squeeze %dma_wait3A_79 : memref<1x128x128xf32, #tpu.memory_space<vmem>> -> memref<128x128xf32, #tpu.memory_space<vmem>>
      %dma_wait3A_81 = arith.constant 0 : i32
      %dma_wait3A_82 = arith.constant 0 : i32
      %dma_wait3A_83 = tpu.memref_slice %arg2[%dma_wait3A_81, %dma_wait3A_82] : memref<160000x128xf32, #tpu.memory_space<hbm>> -> memref<128x128xf32, #tpu.memory_space<hbm>>
      tpu.wait_dma2 semaphore(%arg11 : memref<!tpu.dma_semaphore, #tpu.memory_space<semaphore_mem>>) src(%dma_wait3A_83 : memref<128x128xf32, #tpu.memory_space<hbm>>) dst(%dma_wait3A_80 : memref<128x128xf32, #tpu.memory_space<vmem>>)
      %dma_wait3A_84 = arith.constant 0 : i32
      %dma_wait3A_85 = arith.constant 0 : i32
      %dma_wait3A_86 = arith.constant 0 : i32
      %dma_wait3A_87 = tpu.memref_slice %arg8[%dma_wait3A_85, %dma_wait3A_86] : memref<2x128xi32, #tpu.memory_space<vmem>> -> memref<1x128xi32, #tpu.memory_space<vmem>>
      %dma_wait3A_88 = tpu.memref_squeeze %dma_wait3A_87 : memref<1x128xi32, #tpu.memory_space<vmem>> -> memref<128xi32, #tpu.memory_space<vmem>>
      %dma_wait3A_89 = arith.constant 0 : i32
      %dma_wait3A_90 = tpu.memref_slice %arg4[%add3A, %dma_wait3A_84, %dma_wait3A_89] : memref<32x80x128xi32, #tpu.memory_space<hbm>> -> memref<1x1x128xi32, #tpu.memory_space<hbm>>
      %dma_wait3A_91 = tpu.memref_squeeze %dma_wait3A_90 : memref<1x1x128xi32, #tpu.memory_space<hbm>> -> memref<128xi32, #tpu.memory_space<hbm>>
      %dma_wait3A_92 = arith.constant 0 : i32
      %dma_wait3A_93 = tpu.memref_slice %arg8[%dma_wait3A_85, %dma_wait3A_92] : memref<2x128xi32, #tpu.memory_space<vmem>> -> memref<1x128xi32, #tpu.memory_space<vmem>>
      %dma_wait3A_94 = tpu.memref_squeeze %dma_wait3A_93 : memref<1x128xi32, #tpu.memory_space<vmem>> -> memref<128xi32, #tpu.memory_space<vmem>>
      %dma_wait3A_95 = arith.constant 0 : i32
      %dma_wait3A_96 = tpu.memref_slice %arg4[%add3A, %dma_wait3A_84, %dma_wait3A_95] : memref<32x80x128xi32, #tpu.memory_space<hbm>> -> memref<1x1x128xi32, #tpu.memory_space<hbm>>
      %dma_wait3A_97 = tpu.memref_squeeze %dma_wait3A_96 : memref<1x1x128xi32, #tpu.memory_space<hbm>> -> memref<128xi32, #tpu.memory_space<hbm>>
      tpu.wait_dma2 semaphore(%arg13 : memref<!tpu.dma_semaphore, #tpu.memory_space<semaphore_mem>>) src(%dma_wait3A_97 : memref<128xi32, #tpu.memory_space<hbm>>) dst(%dma_wait3A_94 : memref<128xi32, #tpu.memory_space<vmem>>)
      %dma_start3A_98 = arith.constant 0 : i32
      %dma_start3A_99 = arith.constant 0 : i32
      %dma_start3A_100 = arith.constant 0 : i32
      %dma_start3A_101 = arith.constant 0 : i32
      %dma_start3A_102 = tpu.memref_slice %arg9[%dma_start3A_98, %dma_start3A_100, %dma_start3A_101] : memref<2x128x128xf32, #tpu.memory_space<vmem>> -> memref<1x128x128xf32, #tpu.memory_space<vmem>>
      %dma_start3A_103 = tpu.memref_squeeze %dma_start3A_102 : memref<1x128x128xf32, #tpu.memory_space<vmem>> -> memref<128x128xf32, #tpu.memory_space<vmem>>
      %dma_start3A_104 = arith.constant 0 : i32
      %dma_start3A_105 = tpu.memref_slice %arg8[%dma_start3A_99, %dma_start3A_104] : memref<2x128xi32, #tpu.memory_space<vmem>> -> memref<1x128xi32, #tpu.memory_space<vmem>>
      %dma_start3A_106 = tpu.memref_squeeze %dma_start3A_105 : memref<1x128xi32, #tpu.memory_space<vmem>> -> memref<128xi32, #tpu.memory_space<vmem>>
      %dma_start3A_107 = arith.constant 0 : i32
      %dma_start3A_108 = arith.constant 0 : i32
      %dma_start3A_109 = tpu.memref_slice %arg10[%dma_start3A_107, %dma_start3A_108] : memref<10112x128xf32, #tpu.memory_space<vmem_shared>> -> memref<10112x128xf32, #tpu.memory_space<vmem_shared>>
      tpu.enqueue_indirect_dma source(%dma_start3A_103 : memref<128x128xf32, #tpu.memory_space<vmem>>) target(%dma_start3A_109 : memref<10112x128xf32, #tpu.memory_space<vmem_shared>>) offsets(%dma_start3A_106 : memref<128xi32, #tpu.memory_space<vmem>>) semaphore(%arg15 : memref<!tpu.dma_semaphore, #tpu.memory_space<semaphore_mem>>) {add = true}
      %dma_wait3A_110 = arith.constant 0 : i32
      %dma_wait3A_111 = arith.constant 0 : i32
      %dma_wait3A_112 = arith.constant 0 : i32
      %dma_wait3A_113 = tpu.memref_slice %arg9[%dma_wait3A_110, %dma_wait3A_111, %dma_wait3A_112] : memref<2x128x128xf32, #tpu.memory_space<vmem>> -> memref<1x128x128xf32, #tpu.memory_space<vmem>>
      %dma_wait3A_114 = tpu.memref_squeeze %dma_wait3A_113 : memref<1x128x128xf32, #tpu.memory_space<vmem>> -> memref<128x128xf32, #tpu.memory_space<vmem>>
      %dma_wait3A_115 = arith.constant 0 : i32
      %dma_wait3A_116 = arith.constant 0 : i32
      %dma_wait3A_117 = tpu.memref_slice %arg2[%dma_wait3A_115, %dma_wait3A_116] : memref<160000x128xf32, #tpu.memory_space<hbm>> -> memref<128x128xf32, #tpu.memory_space<hbm>>
      %dma_wait3A_118 = arith.constant 0 : i32
      %dma_wait3A_119 = arith.constant 0 : i32
      %dma_wait3A_120 = tpu.memref_slice %arg9[%dma_wait3A_110, %dma_wait3A_118, %dma_wait3A_119] : memref<2x128x128xf32, #tpu.memory_space<vmem>> -> memref<1x128x128xf32, #tpu.memory_space<vmem>>
      %dma_wait3A_121 = tpu.memref_squeeze %dma_wait3A_120 : memref<1x128x128xf32, #tpu.memory_space<vmem>> -> memref<128x128xf32, #tpu.memory_space<vmem>>
      %dma_wait3A_122 = arith.constant 0 : i32
      %dma_wait3A_123 = arith.constant 0 : i32
      %dma_wait3A_124 = tpu.memref_slice %arg2[%dma_wait3A_122, %dma_wait3A_123] : memref<160000x128xf32, #tpu.memory_space<hbm>> -> memref<128x128xf32, #tpu.memory_space<hbm>>
      tpu.wait_dma2 semaphore(%arg15 : memref<!tpu.dma_semaphore, #tpu.memory_space<semaphore_mem>>) src(%dma_wait3A_124 : memref<128x128xf32, #tpu.memory_space<hbm>>) dst(%dma_wait3A_121 : memref<128x128xf32, #tpu.memory_space<vmem>>)
      %add3A_125 = arith.constant 2 : i32
      %add3A_126 = arith.addi %mul3A_69, %add3A_125 : i32
      %lt3A = arith.constant 80 : i32
      %lt3A_127 = arith.cmpi slt, %add3A_126, %lt3A : i32
      %convert_element_type3A = arith.extui %lt3A_127 : i1 to i32
      %cond3A = arith.constant 0 : i32
      %cond3A_128 = arith.cmpi ne, %convert_element_type3A, %cond3A : i32
      scf.if %cond3A_128 {
        %add3A_196 = arith.constant 2 : i32
        %add3A_197 = arith.addi %mul3A_69, %add3A_196 : i32
        %dma_start3A_198 = arith.constant 0 : i32
        %dma_start3A_199 = arith.constant 0 : i32
        %dma_start3A_200 = tpu.memref_slice %arg8[%dma_start3A_198, %dma_start3A_199] : memref<2x128xi32, #tpu.memory_space<vmem>> -> memref<1x128xi32, #tpu.memory_space<vmem>>
        %dma_start3A_201 = tpu.memref_squeeze %dma_start3A_200 : memref<1x128xi32, #tpu.memory_space<vmem>> -> memref<128xi32, #tpu.memory_space<vmem>>
        %dma_start3A_202 = arith.constant 0 : i32
        %dma_start3A_203 = tpu.memref_slice %arg4[%add3A, %add3A_197, %dma_start3A_202] : memref<32x80x128xi32, #tpu.memory_space<hbm>> -> memref<1x1x128xi32, #tpu.memory_space<hbm>>
        %dma_start3A_204 = tpu.memref_squeeze %dma_start3A_203 : memref<1x1x128xi32, #tpu.memory_space<hbm>> -> memref<128xi32, #tpu.memory_space<hbm>>
        %dma_start3A_205 = arith.constant 0 : i32
        %dma_start3A_206 = tpu.memref_slice %arg8[%dma_start3A_198, %dma_start3A_205] : memref<2x128xi32, #tpu.memory_space<vmem>> -> memref<1x128xi32, #tpu.memory_space<vmem>>
        %dma_start3A_207 = tpu.memref_squeeze %dma_start3A_206 : memref<1x128xi32, #tpu.memory_space<vmem>> -> memref<128xi32, #tpu.memory_space<vmem>>
        %dma_start3A_208 = arith.constant 0 : i32
        %dma_start3A_209 = tpu.memref_slice %arg4[%add3A, %add3A_197, %dma_start3A_208] : memref<32x80x128xi32, #tpu.memory_space<hbm>> -> memref<1x1x128xi32, #tpu.memory_space<hbm>>
        %dma_start3A_210 = tpu.memref_squeeze %dma_start3A_209 : memref<1x1x128xi32, #tpu.memory_space<hbm>> -> memref<128xi32, #tpu.memory_space<hbm>>
        tpu.enqueue_dma source(%dma_start3A_210 : memref<128xi32, #tpu.memory_space<hbm>>) target(%dma_start3A_207 : memref<128xi32, #tpu.memory_space<vmem>>) target_semaphore(%arg13 : memref<!tpu.dma_semaphore, #tpu.memory_space<semaphore_mem>>)
        %dma_start3A_211 = arith.constant 0 : i32
        %dma_start3A_212 = arith.constant 0 : i32
        %dma_start3A_213 = arith.constant 0 : i32
        %dma_start3A_214 = tpu.memref_slice %arg9[%dma_start3A_211, %dma_start3A_212, %dma_start3A_213] : memref<2x128x128xf32, #tpu.memory_space<vmem>> -> memref<1x128x128xf32, #tpu.memory_space<vmem>>
        %dma_start3A_215 = tpu.memref_squeeze %dma_start3A_214 : memref<1x128x128xf32, #tpu.memory_space<vmem>> -> memref<128x128xf32, #tpu.memory_space<vmem>>
        %dma_start3A_216 = arith.constant 0 : i32
        %dma_start3A_217 = tpu.memref_slice %arg7[%add3A_197, %dma_start3A_216] : memref<80x128xi32, #tpu.memory_space<vmem>> -> memref<1x128xi32, #tpu.memory_space<vmem>>
        %dma_start3A_218 = tpu.memref_squeeze %dma_start3A_217 : memref<1x128xi32, #tpu.memory_space<vmem>> -> memref<128xi32, #tpu.memory_space<vmem>>
        %dma_start3A_219 = arith.constant 0 : i32
        %dma_start3A_220 = arith.constant 0 : i32
        %dma_start3A_221 = tpu.memref_slice %arg2[%dma_start3A_219, %dma_start3A_220] : memref<160000x128xf32, #tpu.memory_space<hbm>> -> memref<160000x128xf32, #tpu.memory_space<hbm>>
        tpu.enqueue_indirect_dma source(%dma_start3A_221 : memref<160000x128xf32, #tpu.memory_space<hbm>>) target(%dma_start3A_215 : memref<128x128xf32, #tpu.memory_space<vmem>>) offsets(%dma_start3A_218 : memref<128xi32, #tpu.memory_space<vmem>>) semaphore(%arg11 : memref<!tpu.dma_semaphore, #tpu.memory_space<semaphore_mem>>)
      } else {
      }
      %mul3A_129 = arith.constant 2 : i32
      %mul3A_130 = arith.muli %add3A_67, %mul3A_129 : i32
      %add3A_131 = arith.constant 1 : i32
      %add3A_132 = arith.addi %mul3A_130, %add3A_131 : i32
      %dma_wait3A_133 = arith.constant 1 : i32
      %dma_wait3A_134 = arith.constant 0 : i32
      %dma_wait3A_135 = arith.constant 0 : i32
      %dma_wait3A_136 = tpu.memref_slice %arg9[%dma_wait3A_133, %dma_wait3A_134, %dma_wait3A_135] : memref<2x128x128xf32, #tpu.memory_space<vmem>> -> memref<1x128x128xf32, #tpu.memory_space<vmem>>
      %dma_wait3A_137 = tpu.memref_squeeze %dma_wait3A_136 : memref<1x128x128xf32, #tpu.memory_space<vmem>> -> memref<128x128xf32, #tpu.memory_space<vmem>>
      %dma_wait3A_138 = arith.constant 0 : i32
      %dma_wait3A_139 = arith.constant 0 : i32
      %dma_wait3A_140 = tpu.memref_slice %arg2[%dma_wait3A_138, %dma_wait3A_139] : memref<160000x128xf32, #tpu.memory_space<hbm>> -> memref<128x128xf32, #tpu.memory_space<hbm>>
      %dma_wait3A_141 = arith.constant 0 : i32
      %dma_wait3A_142 = arith.constant 0 : i32
      %dma_wait3A_143 = tpu.memref_slice %arg9[%dma_wait3A_133, %dma_wait3A_141, %dma_wait3A_142] : memref<2x128x128xf32, #tpu.memory_space<vmem>> -> memref<1x128x128xf32, #tpu.memory_space<vmem>>
      %dma_wait3A_144 = tpu.memref_squeeze %dma_wait3A_143 : memref<1x128x128xf32, #tpu.memory_space<vmem>> -> memref<128x128xf32, #tpu.memory_space<vmem>>
      %dma_wait3A_145 = arith.constant 0 : i32
      %dma_wait3A_146 = arith.constant 0 : i32
      %dma_wait3A_147 = tpu.memref_slice %arg2[%dma_wait3A_145, %dma_wait3A_146] : memref<160000x128xf32, #tpu.memory_space<hbm>> -> memref<128x128xf32, #tpu.memory_space<hbm>>
      tpu.wait_dma2 semaphore(%arg12 : memref<!tpu.dma_semaphore, #tpu.memory_space<semaphore_mem>>) src(%dma_wait3A_147 : memref<128x128xf32, #tpu.memory_space<hbm>>) dst(%dma_wait3A_144 : memref<128x128xf32, #tpu.memory_space<vmem>>)
      %dma_wait3A_148 = arith.constant 0 : i32
      %dma_wait3A_149 = arith.constant 1 : i32
      %dma_wait3A_150 = arith.constant 0 : i32
      %dma_wait3A_151 = tpu.memref_slice %arg8[%dma_wait3A_149, %dma_wait3A_150] : memref<2x128xi32, #tpu.memory_space<vmem>> -> memref<1x128xi32, #tpu.memory_space<vmem>>
      %dma_wait3A_152 = tpu.memref_squeeze %dma_wait3A_151 : memref<1x128xi32, #tpu.memory_space<vmem>> -> memref<128xi32, #tpu.memory_space<vmem>>
      %dma_wait3A_153 = arith.constant 0 : i32
      %dma_wait3A_154 = tpu.memref_slice %arg4[%add3A, %dma_wait3A_148, %dma_wait3A_153] : memref<32x80x128xi32, #tpu.memory_space<hbm>> -> memref<1x1x128xi32, #tpu.memory_space<hbm>>
      %dma_wait3A_155 = tpu.memref_squeeze %dma_wait3A_154 : memref<1x1x128xi32, #tpu.memory_space<hbm>> -> memref<128xi32, #tpu.memory_space<hbm>>
      %dma_wait3A_156 = arith.constant 0 : i32
      %dma_wait3A_157 = tpu.memref_slice %arg8[%dma_wait3A_149, %dma_wait3A_156] : memref<2x128xi32, #tpu.memory_space<vmem>> -> memref<1x128xi32, #tpu.memory_space<vmem>>
      %dma_wait3A_158 = tpu.memref_squeeze %dma_wait3A_157 : memref<1x128xi32, #tpu.memory_space<vmem>> -> memref<128xi32, #tpu.memory_space<vmem>>
      %dma_wait3A_159 = arith.constant 0 : i32
      %dma_wait3A_160 = tpu.memref_slice %arg4[%add3A, %dma_wait3A_148, %dma_wait3A_159] : memref<32x80x128xi32, #tpu.memory_space<hbm>> -> memref<1x1x128xi32, #tpu.memory_space<hbm>>
      %dma_wait3A_161 = tpu.memref_squeeze %dma_wait3A_160 : memref<1x1x128xi32, #tpu.memory_space<hbm>> -> memref<128xi32, #tpu.memory_space<hbm>>
      tpu.wait_dma2 semaphore(%arg14 : memref<!tpu.dma_semaphore, #tpu.memory_space<semaphore_mem>>) src(%dma_wait3A_161 : memref<128xi32, #tpu.memory_space<hbm>>) dst(%dma_wait3A_158 : memref<128xi32, #tpu.memory_space<vmem>>)
      %dma_start3A_162 = arith.constant 1 : i32
      %dma_start3A_163 = arith.constant 1 : i32
      %dma_start3A_164 = arith.constant 0 : i32
      %dma_start3A_165 = arith.constant 0 : i32
      %dma_start3A_166 = tpu.memref_slice %arg9[%dma_start3A_162, %dma_start3A_164, %dma_start3A_165] : memref<2x128x128xf32, #tpu.memory_space<vmem>> -> memref<1x128x128xf32, #tpu.memory_space<vmem>>
      %dma_start3A_167 = tpu.memref_squeeze %dma_start3A_166 : memref<1x128x128xf32, #tpu.memory_space<vmem>> -> memref<128x128xf32, #tpu.memory_space<vmem>>
      %dma_start3A_168 = arith.constant 0 : i32
      %dma_start3A_169 = tpu.memref_slice %arg8[%dma_start3A_163, %dma_start3A_168] : memref<2x128xi32, #tpu.memory_space<vmem>> -> memref<1x128xi32, #tpu.memory_space<vmem>>
      %dma_start3A_170 = tpu.memref_squeeze %dma_start3A_169 : memref<1x128xi32, #tpu.memory_space<vmem>> -> memref<128xi32, #tpu.memory_space<vmem>>
      %dma_start3A_171 = arith.constant 0 : i32
      %dma_start3A_172 = arith.constant 0 : i32
      %dma_start3A_173 = tpu.memref_slice %arg10[%dma_start3A_171, %dma_start3A_172] : memref<10112x128xf32, #tpu.memory_space<vmem_shared>> -> memref<10112x128xf32, #tpu.memory_space<vmem_shared>>
      tpu.enqueue_indirect_dma source(%dma_start3A_167 : memref<128x128xf32, #tpu.memory_space<vmem>>) target(%dma_start3A_173 : memref<10112x128xf32, #tpu.memory_space<vmem_shared>>) offsets(%dma_start3A_170 : memref<128xi32, #tpu.memory_space<vmem>>) semaphore(%arg16 : memref<!tpu.dma_semaphore, #tpu.memory_space<semaphore_mem>>) {add = true}
      %dma_wait3A_174 = arith.constant 1 : i32
      %dma_wait3A_175 = arith.constant 0 : i32
      %dma_wait3A_176 = arith.constant 0 : i32
      %dma_wait3A_177 = tpu.memref_slice %arg9[%dma_wait3A_174, %dma_wait3A_175, %dma_wait3A_176] : memref<2x128x128xf32, #tpu.memory_space<vmem>> -> memref<1x128x128xf32, #tpu.memory_space<vmem>>
      %dma_wait3A_178 = tpu.memref_squeeze %dma_wait3A_177 : memref<1x128x128xf32, #tpu.memory_space<vmem>> -> memref<128x128xf32, #tpu.memory_space<vmem>>
      %dma_wait3A_179 = arith.constant 0 : i32
      %dma_wait3A_180 = arith.constant 0 : i32
      %dma_wait3A_181 = tpu.memref_slice %arg2[%dma_wait3A_179, %dma_wait3A_180] : memref<160000x128xf32, #tpu.memory_space<hbm>> -> memref<128x128xf32, #tpu.memory_space<hbm>>
      %dma_wait3A_182 = arith.constant 0 : i32
      %dma_wait3A_183 = arith.constant 0 : i32
      %dma_wait3A_184 = tpu.memref_slice %arg9[%dma_wait3A_174, %dma_wait3A_182, %dma_wait3A_183] : memref<2x128x128xf32, #tpu.memory_space<vmem>> -> memref<1x128x128xf32, #tpu.memory_space<vmem>>
      %dma_wait3A_185 = tpu.memref_squeeze %dma_wait3A_184 : memref<1x128x128xf32, #tpu.memory_space<vmem>> -> memref<128x128xf32, #tpu.memory_space<vmem>>
      %dma_wait3A_186 = arith.constant 0 : i32
      %dma_wait3A_187 = arith.constant 0 : i32
      %dma_wait3A_188 = tpu.memref_slice %arg2[%dma_wait3A_186, %dma_wait3A_187] : memref<160000x128xf32, #tpu.memory_space<hbm>> -> memref<128x128xf32, #tpu.memory_space<hbm>>
      tpu.wait_dma2 semaphore(%arg16 : memref<!tpu.dma_semaphore, #tpu.memory_space<semaphore_mem>>) src(%dma_wait3A_188 : memref<128x128xf32, #tpu.memory_space<hbm>>) dst(%dma_wait3A_185 : memref<128x128xf32, #tpu.memory_space<vmem>>)
      %add3A_189 = arith.constant 2 : i32
      %add3A_190 = arith.addi %add3A_132, %add3A_189 : i32
      %lt3A_191 = arith.constant 80 : i32
      %lt3A_192 = arith.cmpi slt, %add3A_190, %lt3A_191 : i32
      %convert_element_type3A_193 = arith.extui %lt3A_192 : i1 to i32
      %cond3A_194 = arith.constant 0 : i32
      %cond3A_195 = arith.cmpi ne, %convert_element_type3A_193, %cond3A_194 : i32
      scf.if %cond3A_195 {
        %add3A_196 = arith.constant 2 : i32
        %add3A_197 = arith.addi %add3A_132, %add3A_196 : i32
        %dma_start3A_198 = arith.constant 1 : i32
        %dma_start3A_199 = arith.constant 0 : i32
        %dma_start3A_200 = tpu.memref_slice %arg8[%dma_start3A_198, %dma_start3A_199] : memref<2x128xi32, #tpu.memory_space<vmem>> -> memref<1x128xi32, #tpu.memory_space<vmem>>
        %dma_start3A_201 = tpu.memref_squeeze %dma_start3A_200 : memref<1x128xi32, #tpu.memory_space<vmem>> -> memref<128xi32, #tpu.memory_space<vmem>>
        %dma_start3A_202 = arith.constant 0 : i32
        %dma_start3A_203 = tpu.memref_slice %arg4[%add3A, %add3A_197, %dma_start3A_202] : memref<32x80x128xi32, #tpu.memory_space<hbm>> -> memref<1x1x128xi32, #tpu.memory_space<hbm>>
        %dma_start3A_204 = tpu.memref_squeeze %dma_start3A_203 : memref<1x1x128xi32, #tpu.memory_space<hbm>> -> memref<128xi32, #tpu.memory_space<hbm>>
        %dma_start3A_205 = arith.constant 0 : i32
        %dma_start3A_206 = tpu.memref_slice %arg8[%dma_start3A_198, %dma_start3A_205] : memref<2x128xi32, #tpu.memory_space<vmem>> -> memref<1x128xi32, #tpu.memory_space<vmem>>
        %dma_start3A_207 = tpu.memref_squeeze %dma_start3A_206 : memref<1x128xi32, #tpu.memory_space<vmem>> -> memref<128xi32, #tpu.memory_space<vmem>>
        %dma_start3A_208 = arith.constant 0 : i32
        %dma_start3A_209 = tpu.memref_slice %arg4[%add3A, %add3A_197, %dma_start3A_208] : memref<32x80x128xi32, #tpu.memory_space<hbm>> -> memref<1x1x128xi32, #tpu.memory_space<hbm>>
        %dma_start3A_210 = tpu.memref_squeeze %dma_start3A_209 : memref<1x1x128xi32, #tpu.memory_space<hbm>> -> memref<128xi32, #tpu.memory_space<hbm>>
        tpu.enqueue_dma source(%dma_start3A_210 : memref<128xi32, #tpu.memory_space<hbm>>) target(%dma_start3A_207 : memref<128xi32, #tpu.memory_space<vmem>>) target_semaphore(%arg14 : memref<!tpu.dma_semaphore, #tpu.memory_space<semaphore_mem>>)
        %dma_start3A_211 = arith.constant 1 : i32
        %dma_start3A_212 = arith.constant 0 : i32
        %dma_start3A_213 = arith.constant 0 : i32
        %dma_start3A_214 = tpu.memref_slice %arg9[%dma_start3A_211, %dma_start3A_212, %dma_start3A_213] : memref<2x128x128xf32, #tpu.memory_space<vmem>> -> memref<1x128x128xf32, #tpu.memory_space<vmem>>
        %dma_start3A_215 = tpu.memref_squeeze %dma_start3A_214 : memref<1x128x128xf32, #tpu.memory_space<vmem>> -> memref<128x128xf32, #tpu.memory_space<vmem>>
        %dma_start3A_216 = arith.constant 0 : i32
        %dma_start3A_217 = tpu.memref_slice %arg7[%add3A_197, %dma_start3A_216] : memref<80x128xi32, #tpu.memory_space<vmem>> -> memref<1x128xi32, #tpu.memory_space<vmem>>
        %dma_start3A_218 = tpu.memref_squeeze %dma_start3A_217 : memref<1x128xi32, #tpu.memory_space<vmem>> -> memref<128xi32, #tpu.memory_space<vmem>>
        %dma_start3A_219 = arith.constant 0 : i32
        %dma_start3A_220 = arith.constant 0 : i32
        %dma_start3A_221 = tpu.memref_slice %arg2[%dma_start3A_219, %dma_start3A_220] : memref<160000x128xf32, #tpu.memory_space<hbm>> -> memref<160000x128xf32, #tpu.memory_space<hbm>>
        tpu.enqueue_indirect_dma source(%dma_start3A_221 : memref<160000x128xf32, #tpu.memory_space<hbm>>) target(%dma_start3A_215 : memref<128x128xf32, #tpu.memory_space<vmem>>) offsets(%dma_start3A_218 : memref<128xi32, #tpu.memory_space<vmem>>) semaphore(%arg12 : memref<!tpu.dma_semaphore, #tpu.memory_space<semaphore_mem>>)
      } else {
      }
    }
    %scan3A_57 = arith.constant 40 : i32
    %barrier3A_58 = arith.constant 0 : index
    tpu.barrier barrier_id(%barrier3A_58)
    %mul3A_59 = arith.constant 632 : i32
    %mul3A_60 = arith.muli %arg1, %mul3A_59 : i32
    %mul3A_61 = arith.constant 632 : i32
    %mul3A_62 = arith.muli %arg1, %mul3A_61 : i32
    "tpu.region"() ({
      %run_scoped3A = tpu.sem_alloc : memref<!tpu.dma_semaphore, #tpu.memory_space<semaphore_mem>>
      %dma_start3A_63 = arith.constant 0 : i32
      %dma_start3A_64 = tpu.memref_slice %arg6[%arg0, %mul3A_62, %dma_start3A_63] : memref<2x10112x128xf32, #tpu.memory_space<hbm>> -> memref<1x632x128xf32, #tpu.memory_space<hbm>>
      %dma_start3A_65 = tpu.memref_squeeze %dma_start3A_64 : memref<1x632x128xf32, #tpu.memory_space<hbm>> -> memref<632x128xf32, #tpu.memory_space<hbm>>
      %dma_start3A_66 = arith.constant 0 : i32
      %dma_start3A_67 = tpu.memref_slice %arg10[%mul3A_60, %dma_start3A_66] : memref<10112x128xf32, #tpu.memory_space<vmem_shared>> -> memref<632x128xf32, #tpu.memory_space<vmem_shared>>
      tpu.enqueue_dma source(%dma_start3A_67 : memref<632x128xf32, #tpu.memory_space<vmem_shared>>) target(%dma_start3A_65 : memref<632x128xf32, #tpu.memory_space<hbm>>) target_semaphore(%run_scoped3A : memref<!tpu.dma_semaphore, #tpu.memory_space<semaphore_mem>>)
      %dma_wait3A = arith.constant 0 : i32
      %dma_wait3A_68 = tpu.memref_slice %arg6[%arg0, %mul3A_62, %dma_wait3A] : memref<2x10112x128xf32, #tpu.memory_space<hbm>> -> memref<1x632x128xf32, #tpu.memory_space<hbm>>
      %dma_wait3A_69 = tpu.memref_squeeze %dma_wait3A_68 : memref<1x632x128xf32, #tpu.memory_space<hbm>> -> memref<632x128xf32, #tpu.memory_space<hbm>>
      %dma_wait3A_70 = arith.constant 0 : i32
      %dma_wait3A_71 = tpu.memref_slice %arg10[%mul3A_60, %dma_wait3A_70] : memref<10112x128xf32, #tpu.memory_space<vmem_shared>> -> memref<632x128xf32, #tpu.memory_space<vmem_shared>>
      tpu.wait_dma2 semaphore(%run_scoped3A : memref<!tpu.dma_semaphore, #tpu.memory_space<semaphore_mem>>) src(%dma_wait3A_71 : memref<632x128xf32, #tpu.memory_space<vmem_shared>>) dst(%dma_wait3A_69 : memref<632x128xf32, #tpu.memory_space<hbm>>)
      tpu.yield
    }) : () -> ()
    return
  }
}

module attributes {stable_mosaic.version = 14 : i64} {
  func.func @_xt_body(%arg0: i32, %arg1: i32, %arg2: memref<10000x128xbf16, #tpu.memory_space<vmem>>, %arg3: memref<1x128x128xbf16, #tpu.memory_space<vmem>>, %arg4: memref<1x1x128xf32, #tpu.memory_space<vmem>>, %arg5: memref<1x10000x128xf32, #tpu.memory_space<vmem>>) attributes {dimension_semantics = [#tpu.dimension_semantics<arbitrary>, #tpu.dimension_semantics<arbitrary>], iteration_bounds = array<i64: 1, 16>, scalar_prefetch = 0 : i64, scratch_operands = 0 : i64, tpu.core_type = #tpu.core_type<tc>, window_params = [{transform_indices = @transform_0, window_bounds = array<i64: 10000, 128>}, {transform_indices = @transform_1, window_bounds = array<i64: 1, 128, 128>}, {transform_indices = @transform_2, window_bounds = array<i64: 1, 1, 128>}, {transform_indices = @transform_3, window_bounds = array<i64: 1, 10000, 128>}]} {
    %get3A = arith.constant 0 : index
    %get3A_0 = arith.constant 0 : index
    %get3A_1 = vector.load %arg2[%get3A, %get3A_0] : memref<10000x128xbf16, #tpu.memory_space<vmem>>, vector<10000x128xbf16>
    %get3A_2 = arith.constant 0 : index
    %get3A_3 = arith.constant 0 : index
    %get3A_4 = arith.constant 0 : index
    %get3A_5 = vector.load %arg3[%get3A_2, %get3A_3, %get3A_4] : memref<1x128x128xbf16, #tpu.memory_space<vmem>>, vector<1x128x128xbf16>
    %get3A_6 = vector.shape_cast %get3A_5 : vector<1x128x128xbf16> to vector<128x128xbf16>
    %dot_general3A = arith.constant dense<0.000000e+00> : vector<10000x128xf32>
    %dot_general3A_7 = tpu.matmul %get3A_1, %get3A_6, %dot_general3A {dimension_numbers = #tpu.dot_dimension_numbers<[1], [1], [0], [0], [0, 0, 1, 0], [], []>, transpose_lhs_hint = false} : vector<10000x128xbf16>, vector<128x128xbf16>, vector<10000x128xf32> -> vector<10000x128xf32>
    %get3A_8 = arith.constant 0 : index
    %get3A_9 = arith.constant 0 : index
    %get3A_10 = arith.constant 0 : index
    %get3A_11 = vector.load %arg4[%get3A_8, %get3A_9, %get3A_10] : memref<1x1x128xf32, #tpu.memory_space<vmem>>, vector<1x1x128xf32>
    %get3A_12 = vector.shape_cast %get3A_11 : vector<1x1x128xf32> to vector<128xf32>
    %broadcast_in_dim3A = vector.shape_cast %get3A_12 : vector<128xf32> to vector<1x128xf32>
    %add3A = vector.broadcast %broadcast_in_dim3A : vector<1x128xf32> to vector<10000x128xf32>
    %add3A_13 = arith.addf %dot_general3A_7, %add3A : vector<10000x128xf32>
    %swap3A = arith.constant 0 : index
    %swap3A_14 = arith.constant 0 : index
    %swap3A_15 = arith.constant 0 : index
    %swap3A_16 = vector.load %arg5[%swap3A, %swap3A_14, %swap3A_15] : memref<1x10000x128xf32, #tpu.memory_space<vmem>>, vector<1x10000x128xf32>
    %swap3A_17 = vector.shape_cast %swap3A_16 : vector<1x10000x128xf32> to vector<10000x128xf32>
    %swap3A_18 = vector.shape_cast %add3A_13 : vector<10000x128xf32> to vector<1x10000x128xf32>
    tpu.vector_store %arg5[%swap3A, %swap3A_14, %swap3A_15], %swap3A_18 {strides = array<i32>} : memref<1x10000x128xf32, #tpu.memory_space<vmem>>, vector<1x10000x128xf32>,
    return
  }
  func.func @transform_0(%arg0: i32, %arg1: i32) -> (i32, i32) {
    %c0_i32 = arith.constant 0 : i32
    %c0_i32_0 = arith.constant 0 : i32
    return %arg0, %c0_i32 : i32, i32
  }
  func.func @transform_1(%arg0: i32, %arg1: i32) -> (i32, i32, i32) {
    %c0_i32 = arith.constant 0 : i32
    %c0_i32_0 = arith.constant 0 : i32
    %c0_i32_1 = arith.constant 0 : i32
    return %arg1, %c0_i32, %c0_i32_0 : i32, i32, i32
  }
  func.func @transform_2(%arg0: i32, %arg1: i32) -> (i32, i32, i32) {
    %c0_i32 = arith.constant 0 : i32
    %c0_i32_0 = arith.constant 0 : i32
    %c0_i32_1 = arith.constant 0 : i32
    return %arg1, %c0_i32, %c0_i32_0 : i32, i32, i32
  }
  func.func @transform_3(%arg0: i32, %arg1: i32) -> (i32, i32, i32) {
    %c0_i32 = arith.constant 0 : i32
    %c0_i32_0 = arith.constant 0 : i32
    return %arg1, %arg0, %c0_i32 : i32, i32, i32
  }
}

module attributes {stable_mosaic.version = 14 : i64} {
  func.func @_final_body(%arg0: i32, %arg1: memref<2000x128xf32, #tpu.memory_space<vmem>>, %arg2: memref<128x128xf32, #tpu.memory_space<vmem>>, %arg3: memref<2x2000x128xf32, #tpu.memory_space<vmem>>, %arg4: memref<1x128xf32, #tpu.memory_space<vmem>>, %arg5: memref<2000x128xf32, #tpu.memory_space<vmem>>) attributes {dimension_semantics = [#tpu.dimension_semantics<arbitrary>], iteration_bounds = array<i64: 5>, scalar_prefetch = 0 : i64, scratch_operands = 0 : i64, tpu.core_type = #tpu.core_type<tc>, window_params = [{transform_indices = @transform_0, window_bounds = array<i64: 2000, 128>}, {pipeline_mode = #tpu.pipeline_mode<synchronous>, transform_indices = @transform_1, window_bounds = array<i64: 128, 128>}, {transform_indices = @transform_2, window_bounds = array<i64: 2, 2000, 128>}, {pipeline_mode = #tpu.pipeline_mode<synchronous>, transform_indices = @transform_3, window_bounds = array<i64: 1, 128>}, {transform_indices = @transform_4, window_bounds = array<i64: 2000, 128>}]} {
    %get3A = arith.constant 0 : index
    %get3A_0 = arith.constant 0 : index
    %get3A_1 = vector.load %arg1[%get3A, %get3A_0] : memref<2000x128xf32, #tpu.memory_space<vmem>>, vector<2000x128xf32>
    %get3A_2 = arith.constant 0 : index
    %get3A_3 = arith.constant 0 : index
    %get3A_4 = vector.load %arg2[%get3A_2, %get3A_3] : memref<128x128xf32, #tpu.memory_space<vmem>>, vector<128x128xf32>
    %dot_general3A = arith.constant dense<0.000000e+00> : vector<2000x128xf32>
    %dot_general3A_5 = tpu.matmul %get3A_1, %get3A_4, %dot_general3A {dimension_numbers = #tpu.dot_dimension_numbers<[1], [1], [0], [0], [0, 0, 1, 0], [], []>, transpose_lhs_hint = false} : vector<2000x128xf32>, vector<128x128xf32>, vector<2000x128xf32> -> vector<2000x128xf32>
    %get3A_6 = arith.constant 0 : index
    %get3A_7 = arith.constant 0 : index
    %get3A_8 = arith.constant 0 : index
    %get3A_9 = vector.load %arg3[%get3A_6, %get3A_7, %get3A_8] : memref<2x2000x128xf32, #tpu.memory_space<vmem>>, vector<1x2000x128xf32>
    %get3A_10 = vector.shape_cast %get3A_9 : vector<1x2000x128xf32> to vector<2000x128xf32>
    %add3A = arith.addf %dot_general3A_5, %get3A_10 : vector<2000x128xf32>
    %get3A_11 = arith.constant 1 : index
    %get3A_12 = arith.constant 0 : index
    %get3A_13 = arith.constant 0 : index
    %get3A_14 = vector.load %arg3[%get3A_11, %get3A_12, %get3A_13] : memref<2x2000x128xf32, #tpu.memory_space<vmem>>, vector<1x2000x128xf32>
    %get3A_15 = vector.shape_cast %get3A_14 : vector<1x2000x128xf32> to vector<2000x128xf32>
    %add3A_16 = arith.addf %add3A, %get3A_15 : vector<2000x128xf32>
    %get3A_17 = arith.constant 0 : index
    %get3A_18 = arith.constant 0 : index
    %get3A_19 = vector.load %arg4[%get3A_17, %get3A_18] : memref<1x128xf32, #tpu.memory_space<vmem>>, vector<1x128xf32>
    %add3A_20 = vector.broadcast %get3A_19 : vector<1x128xf32> to vector<2000x128xf32>
    %add3A_21 = arith.addf %add3A_16, %add3A_20 : vector<2000x128xf32>
    %max3A = arith.constant 0.000000e+00 : f32
    %max3A_22 = vector.broadcast %max3A : f32 to vector<2000x128xf32>
    %max3A_23 = arith.maximumf %add3A_21, %max3A_22 : vector<2000x128xf32>
    %swap3A = arith.constant 0 : index
    %swap3A_24 = arith.constant 0 : index
    %swap3A_25 = vector.load %arg5[%swap3A, %swap3A_24] : memref<2000x128xf32, #tpu.memory_space<vmem>>, vector<2000x128xf32>
    tpu.vector_store %arg5[%swap3A, %swap3A_24], %max3A_23 {strides = array<i32>} : memref<2000x128xf32, #tpu.memory_space<vmem>>, vector<2000x128xf32>,
    return
  }
  func.func @transform_0(%arg0: i32) -> (i32, i32) {
    %c0_i32 = arith.constant 0 : i32
    %c0_i32_0 = arith.constant 0 : i32
    return %arg0, %c0_i32 : i32, i32
  }
  func.func @transform_1(%arg0: i32) -> (i32, i32) {
    %c0_i32 = arith.constant 0 : i32
    %c0_i32_0 = arith.constant 0 : i32
    %c0_i32_1 = arith.constant 0 : i32
    return %c0_i32, %c0_i32_0 : i32, i32
  }
  func.func @transform_2(%arg0: i32) -> (i32, i32, i32) {
    %c0_i32 = arith.constant 0 : i32
    %c0_i32_0 = arith.constant 0 : i32
    %c0_i32_1 = arith.constant 0 : i32
    return %c0_i32, %arg0, %c0_i32_0 : i32, i32, i32
  }
  func.func @transform_3(%arg0: i32) -> (i32, i32) {
    %c0_i32 = arith.constant 0 : i32
    %c0_i32_0 = arith.constant 0 : i32
    %c0_i32_1 = arith.constant 0 : i32
    return %c0_i32, %c0_i32_0 : i32, i32
  }
  func.func @transform_4(%arg0: i32) -> (i32, i32) {
    %c0_i32 = arith.constant 0 : i32
    %c0_i32_0 = arith.constant 0 : i32
    return %arg0, %c0_i32 : i32, i32
  }
}

</mosaic_0001>

<sc_bundles>
// kernel: kernel.5.cloned.1.call-start
scs
__scs_entry_jumppad:
0x0: {  	(pc) =	sbr.rel $0x88, $3  }
0x1: {  	(tag) =	ssettag $0x0;
	lr =	simm.s32 $0x1  }
0x2: {  	[smem:$0x3F9B] =	sst lr;
	_ =	strace $0xD0000000  }
0x3: {  	_ = 	snop  }
0x4: {  	_ = 	snop  }
0x5: {  	_ = 	snop  }
0x6: {  	_ = 	snop  }
0x7: {  	_ = 	snop  }
__scs_overlays_trampoline_lowered:
0x8: {  	[smem:$0x3FAA] =	sst s0  }
0x9: {  	[smem:$0x3FAB] =	sst s1  }
0xa: {  	[smem:$0x3FAC] =	sst s2  }
0xb: {  	[smem:$0x3FAD] =	sst s3  }
0xc: {  	[smem:$0x3FAE] =	sst s4  }
0xd: {  	[smem:$0x3FAF] =	sst s5  }
0xe: {  	[smem:$0x3FB0] =	sst s6  }
0xf: {  	[smem:$0x3FB1] =	sst s7  }
0x10: {  	[smem:$0x3FB2] =	sst s8  }
0x11: {  	[smem:$0x3FB3] =	sst s9;
	s0 =	simm.s32 @!p0 $0x0  }
0x12: {  	s1 =	sld [smem:$0x3F99];
	s0 =	simm.s32 @p0 $0x1  }
0x13: {  	[smem:$0x3FB4] =	sst s0;
	s0 =	simm.s32 @!p1 $0x0  }
0x14: {  	s2 =	sld [smem:$0x3F98];
	s0 =	simm.s32 @p1 $0x1  }
0x15: {  	[smem:$0x3FB5] =	sst s0;
	s0 =	simm.s32 @!p2 $0x0  }
0x16: {  	s3 =	sld [smem:$0x3FDB];
	s0 =	simm.s32 @p2 $0x1  }
0x17: {  	s4 =	simm.s32 $0x1BF5;
	[smem:$0x3FB7] =	sst s0  }
0x18: {  	s0 =	sld [smem:$0x3F9A];
	_ =	swait.ge [sflag:s4], $0x0  }
0x19: {  	s7 =	sld [smem:$0x3F9B]  }
0x1a: {  	s8 =	sadd.s32 $0xFFFFE003, lr  }
0x1b: {  	s9 =	sadd.s32 $0xFFFFFEF7, lr;
	s5 =	simm.s32 $0xFFFFFFFF;
	p2 =	slt.u32 s8, $0xFFFFF086  }
0x1c: {  	p1 =	slt.u32 s9, $0xF7A;
	s5 =	simm.s32 @!p2 $0x0  }
0x1d: {  	s5 =	simm.s32 @p1 $0x1;
	p0 =	seq.s32 s7, s2  }
0x1e: {  	s7 =	smul.u32 @!p0 $0xF7A, s2;
	p2 =	seq.s32 @!p0 s5, $0x0  }
0x1f: {  	s9 =	smul.u32 $0xF7A, s1;
	s8 =	simm.s32 @!p0 $0x1BF5;
	p2 =	por !p2, p0  }
0x20: {  	[sflag:s8] =	ssyncset.s32 @!p0 $0xFFFFF086;
	s6 =	sadd.s32 @!p0 s3, s7;
	s7 =	simm.s32 @!p0 $0x108  }
0x21: {  	s3 =	sadd.s32 s3, s9;
	s6 =	sadd.s32 @!p0 $0x88, s6;
	s7 =	simm.s32 @p2 $0x1082  }
0x22: {  	[simem:s7], [sflag:s8] =	dma.local @!p0 [hbm:s6], $0xF7A  }
0x23: {  	s9 =	sor.u32 $0xD0000000, s2;
	s6 =	simm.s32 $0x108;
	_ =	swait.ge @!p0 [sflag:s8], $0x0  }
0x24: {  	s3 =	sadd.s32 $0x88, s3;
	s6 =	simm.s32 @!p1 $0x1082;
	[sflag:s4] =	ssyncset.s32 $0xFFFFF086  }
0x25: {  	[simem:s6], [sflag:s4] =	dma.local [hbm:s3], $0xF7A  }
0x26: {  	[smem:$0x3F9B] =	sst s1;
	(tag) =	ssettag s2;
	_ =	strace s9  }
0x27: {  	s1 =	sld [smem:$0x3FAB]  }
0x28: {  	s2 =	sld [smem:$0x3FAC]  }
0x29: {  	s4 =	sld [smem:$0x3FAE]  }
0x2a: {  	p0 =	seq.s32 s5, $0x0;
	s5 =	sld [smem:$0x3FAF]  }
0x2b: {  	s6 =	sld [smem:$0x3FB0]  }
0x2c: {  	s7 =	sld [smem:$0x3FB1]  }
0x2d: {  	s3 =	simm.s32 $0x108;
	s8 =	sld [smem:$0x3FB2]  }
0x2e: {  	s3 =	simm.s32 @!p0 $0x1082;
	s9 =	sld [smem:$0x3FB3]  }
0x2f: {  	lr =	sadd.s32 s0, s3;
	s0 =	sld [smem:$0x3FAA]  }
0x30: {  	s3 =	sld [smem:$0x3FAD]  }
0x31: {  	[smem:$0x3FB6] =	sst s10  }
0x32: {  	s10 =	sld [smem:$0x3FB4];
	_ =	sdelay $0x3  }
0x33: {  	p0 =	seq.s32 s10, $0x1;
	s10 =	sld [smem:$0x3FB6];
	_ =	sdelay $0x3  }
0x34: {  	[smem:$0x3FB6] =	sst s10  }
0x35: {  	s10 =	sld [smem:$0x3FB5];
	_ =	sdelay $0x3  }
0x36: {  	p1 =	seq.s32 s10, $0x1;
	s10 =	sld [smem:$0x3FB6];
	_ =	sdelay $0x3  }
0x37: {  	[smem:$0x3FB6] =	sst s10  }
0x38: {  	s10 =	sld [smem:$0x3FB7]  }
0x39: {  	_ = 	snop;
	(pc) =	sbr.ind lr, $3  }
0x3a: {  	_ = 	snop  }
0x3b: {  	_ = 	snop  }
0x3c: {  	p2 =	seq.s32 s10, $0x1;
	s10 =	sld [smem:$0x3FB6]  }
0x3d: {  	_ =	shalt  }
0x3e: {  	_ =	shalt  }
0x3f: {  	_ =	shalt  }
0x40: {  	_ =	shalt  }
0x41: {  	_ =	shalt  }
0x42: {  	_ =	shalt  }
0x43: {  	_ =	shalt  }
0x44: {  	_ =	shalt  }
0x45: {  	_ =	shalt  }
0x46: {  	_ =	shalt  }
0x47: {  	_ =	shalt  }
0x48: {  	_ =	shalt  }
0x49: {  	_ =	shalt  }
0x4a: {  	_ =	shalt  }
0x4b: {  	_ =	shalt  }
0x4c: {  	_ =	shalt  }
0x4d: {  	_ =	shalt  }
0x4e: {  	_ =	shalt  }
0x4f: {  	_ =	shalt  }
0x50: {  	_ =	shalt  }
0x51: {  	_ =	shalt  }
0x52: {  	_ =	shalt  }
0x53: {  	_ =	shalt  }
0x54: {  	_ =	shalt  }
0x55: {  	_ =	shalt  }
0x56: {  	_ =	shalt  }
0x57: {  	_ =	shalt  }
0x58: {  	_ =	shalt  }
0x59: {  	_ =	shalt  }
0x5a: {  	_ =	shalt  }
0x5b: {  	_ =	shalt  }
0x5c: {  	_ =	shalt  }
0x5d: {  	_ =	shalt  }
0x5e: {  	_ =	shalt  }
0x5f: {  	_ =	shalt  }
0x60: {  	_ =	shalt  }
0x61: {  	_ =	shalt  }
0x62: {  	_ =	shalt  }
0x63: {  	_ =	shalt  }
0x64: {  	_ =	shalt  }
0x65: {  	_ =	shalt  }
0x66: {  	_ =	shalt  }
0x67: {  	_ =	shalt  }
0x68: {  	_ =	shalt  }
0x69: {  	_ =	shalt  }
0x6a: {  	_ =	shalt  }
0x6b: {  	_ =	shalt  }
0x6c: {  	_ =	shalt  }
0x6d: {  	_ =	shalt  }
0x6e: {  	_ =	shalt  }
0x6f: {  	_ =	shalt  }
0x70: {  	_ =	shalt  }
0x71: {  	_ =	shalt  }
0x72: {  	_ =	shalt  }
0x73: {  	_ =	shalt  }
0x74: {  	_ =	shalt  }
0x75: {  	_ =	shalt  }
0x76: {  	_ =	shalt  }
0x77: {  	_ =	shalt  }
0x78: {  	_ =	shalt  }
0x79: {  	_ =	shalt  }
0x7a: {  	_ =	shalt  }
0x7b: {  	_ =	shalt  }
0x7c: {  	_ =	shalt  }
0x7d: {  	_ =	shalt  }
0x7e: {  	_ =	shalt  }
0x7f: {  	_ =	shalt  }
0x80: {  	_ =	shalt  }
0x81: {  	_ =	shalt  }
0x82: {  	_ =	shalt  }
0x83: {  	_ =	shalt  }
0x84: {  	_ =	shalt  }
0x85: {  	_ =	shalt  }
0x86: {  	_ =	shalt  }
0x87: {  	_ =	shalt  }
.Lfunc_end0:
.L_simem_size_0:
called_computation_lowered:
.L_overlay_start_0:
0x88: {  	s2 =	sld [smem:$0x3FD9]  }
0x89: {  	s3 =	sld [smem:$0x3FFE];
	_ =	sdelay $0x1  }
0x8a: {  	s1 =	srdreg.scid  }
0x8b: {  	s0 =	sand.u32 $0x1, s1  }
0x8c: {  	s17 =	sshll.u32 s0, $0xA;
	s2 =	sadd.s32 s3, s2  }
0x8d: {  	s2 =	sadd.s32 s2, s17  }
0x8e: {  	[smem:$0x3FC2] =	sst s2  }
0x8f: {  	_ = 	snop  }
0x90: {  	s2 =	sld [smem:$0x3FD0];
	(tm) =	ssettm $0x1  }
0x91: {  	s18 =	sld [smem:$0x3FFB];
	_ =	sdelay $0x3  }
0x92: {  	_ =	strace s18  }
0x93: {  	s3 =	sld [smem:$0x3FFC];
	_ =	sdelay $0x3  }
0x94: {  	_ =	strace s3  }
0x95: {  	s3 =	sld [smem:$0x3FFD];
	_ =	sdelay $0x3  }
0x96: {  	_ =	strace s3  }
0x97: {  	_ =	strace $0x8FFFFFFF  }
0x98: {  	s19 =	sld [smem:$0x3FDB];
	_ =	sdelay $0x1  }
0x99: {  	s4 =	simm.s32 $_scs_section_size  }
0x9a: {  	s5 =	simm.s32 $_size__tile_overlayer_lowered;
	s6 =	simm.s32 $_tile_overlayer_lowered  }
0x9b: {  	s22 =	simm.s32 $0x1BFF;
	s21 =	sshll.u32 s6, $0x1;
	s3 =	sadd.s32 s4, s19  }
0x9c: {  	s7 =	simm.s32 $0x0;
	s20 =	sshll.u32 s5, $0x1;
	s5 =	sadd.s32 s21, s3  }
0x9d: {  	[timem:s7], [sflag:s22] =	dma.local [hbm:s5], s20  }
0x9e: {  	_ =	swait.ge [sflag:s22], s20  }
0x9f: {  	s4 =	ssub.s32 $0x0, s20;
	[sflag:s22] =	ssyncset.done $0x0  }
0xa0: {  	[sflag:s22] =	ssyncadd.s32 s4;
	_ =	sdelay $0x1  }
0xa1: {  	s23 =	simm.s32 $0x1B8B  }
0xa2: {  	_ =	swait.ge [sflag:s23], $0x1  }
0xa3: {  	[sflag:s23] =	ssyncset.done $0x0  }
0xa4: {  	s25 =	simm.s32 $0x1B8E;
	s24 =	sld [smem:$0x3FFE];
	[sflag:s23] =	ssyncadd.s32 $0xFFFFFFFF  }
0xa5: {  	s26 =	simm.s32 $execute0_lowered;
	[smem:$0x3FD2] =	sst s25  }
0xa6: {  	s5 =	sshll.u32 s26, $0x1;
	_ =	strace $0x80000046;
	[dreg:$0x1] =	wrdreg $0xFFFFFFFF  }
0xa7: {  	s28 =	simm.s32 $_size_execute0_lowered;
	s3 =	sadd.s32 s3, s5;
	[dreg:$0x0] =	wrdreg $0x0  }
0xa8: {  	s5 =	sshll.u32 s28, $0x1;
	[dreg:$0x2] =	wrdreg s3  }
0xa9: {  	[dreg:$0x3] =	wrdreg s5  }
0xaa: {  	[dreg:$0x4] =	wrdreg $0xC0  }
0xab: {  	_ =	task [dreg:s7], $0x5FFFF  }
0xac: {  	[dreg:$0x1] =	wrdreg $0xFFFFFFFF  }
0xad: {  	[dreg:$0x0] =	wrdreg $0x60  }
0xae: {  	[dreg:$0x2] =	wrdreg s24  }
0xaf: {  	[dreg:$0x3] =	wrdreg s2  }
0xb0: {  	[dreg:$0x4] =	wrdreg $0xA9000  }
0xb1: {  	[dreg:$0x5] =	wrdreg $0x9  }
0xb2: {  	_ =	task.clear_ibuf [dreg:s7], $0x6FFFF;
	_ =	strace $0x90000046  }
0xb3: {  	s29 =	simm.s32 $0x9;
	_ =	strace $0x80000048  }
0xb4: {  	_ =	swait.ge [sflag:s29], $0x1  }
0xb5: {  	[sflag:s29] =	ssyncadd.s32 $0xFFFFFFFF  }
0xb6: {  	_ =	strace $0x90000048  }
0xb7: {  	_ =	sfence  }
0xb8: {  	s30 =	sld [smem:$0x0];
	_ =	sdelay $0x2  }
0xb9: {  	s31 =	sshll.u32 s1, $0xD;
	s1 =	sshrl.u32 s1, $0x2  }
0xba: {  	s3 =	sand.u32 $0x4000, s31;
	s1 =	sadd.s32 s1, s30  }
0xbb: {  	s0 =	sor.u32 s3, s0;
	s1 =	sshll.u32 s1, $0x11  }
0xbc: {  	s0 =	sor.u32 s1, s0  }
0xbd: {  	s0 =	sadd.s32 $0x8F2B, s0  }
0xbe: {  	[sflag:s0] =	ssyncadd.remote.s32 $0x1  }
0xbf: {  	_ =	sfence.sel $0xFFFF  }
0xc0: {  	[dreg:$0x0] =	wrdreg $0xFFFFFFFF;
	(pc) =	sbr.abs _section_cstart, $3  }
0xc1: {  	[dreg:$0x1] =	wrdreg $0xFFFFFFFF  }
0xc2: {  	_ =	task.clear_ibuf [dreg:s7], $0x2FFFF;
	_ =	strace $0x9FFFFFFF  }
0xc3: {  	(tm) =	ssettm $0x7FFFFFFF  }
tec
execute0_lowered:
.L_overlay_start_1:
0x0: {  	(tag) =	ssettag $0x1  }
0x1: {  	s8 =	rddreg [dreg:$0x0]  }
0x2: {  	s10 =	rddreg [dreg:$0x1]  }
0x3: {  	s1 =	rddreg [dreg:$0x2];
	s2 =	srdreg.scid  }
0x4: {  	s3 =	simm.s32 $0x0;
	s0 =	stileid.u32;
	s15 =	simm.s32 $0x7  }
0x5: {  	s16 =	simm.s32 $0x2800;
	s17 =	simm.s32 $0x80;
	s18 =	simm.s32 $0x2900  }
0x6: {  	s19 =	simm.s32 $0x2880;
	s20 =	simm.s32 $0x6900;
	s21 =	simm.s32 $0x1  }
0x7: {  	s22 =	simm.s32 $0x3;
	s28 =	simm.s32 $0x0;
	s6 =	sand.u32 $0x1, s2  }
0x8: {  	[smem:$0x7FF] =	sst s3;
	s9 =	smul.u32 $0x13C00, s0;
	s4 =	sadd.s32 $0xA200, s8  }
0x9: {  	s5 =	sadd.s32 $0x200, s8;
	s25 =	smul.u32 $0x4F000, s0;
	s26 =	sadd.s32 $0x27B200, s8  }
0xa: {  	s30 =	sshll.u32 s0, $0x6;
	s7 =	smul.u32 $0x13C000, s6;
	_ =	strace $0x80000047  }
0xb: {  	s23 =	sshll.u32 s6, $0x4;
	s11 =	ssub.s32 $0x2, s6;
	[dreg:$0x4] =	wrdreg s26  }
0xc: {  	s26 =	simm.s32 $0x6;
	s24 =	sor.u32 s0, s23;
	s13 =	sshrl.u32 s11, $0x1  }
0xd: {  	s29 =	sshrl.u32 s25, $0x2;
	s23 =	simm.s32 $0x5;
	s25 =	simm.s32 $0x4  }
0xe: {  	s7 =	sadd.s32 s9, s7;
	s6 =	smul.u32 $0x2800, s24;
	s13 =	ssub.s32 s11, s13  }
0xf: {  	s14 =	sadd.s32 s29, s1;
	s24 =	simm.s32 $0x2;
	s12 =	sshrl.u32 s7, $0x3  }
0x10: {  	s13 =	smax.u32 s13, $0x1;
	s14 =	sshrl.u32 s14, $0x3;
	s31 =	sshrl.u32 s6, $0x3  }
0x11: {  	s12 =	sadd.s32 s12, s8;
	s8 =	sor.u32 $0x1C07, s30;
	s9 =	sadd.s32 s5, s31  }
0x12: {  	s10 =	sadd.s32 s10, s31;
	s12 =	sadd.s32 $0x27DA00, s12;
	s11 =	sadd.s32 $0x10, s9  }
.LBB2_1:
0x13: {  	s0 =	rddreg [dreg:$0x4]  }
0x14: {  	[spmem:s14], [sflag:s8] =	dma.local [hbm:s0], $0x2780  }
0x15: {  	_ =	swait.ge [sflag:s15], $0x2780  }
0x16: {  	[sflag:s15] =	ssyncset.done $0x0  }
0x17: {  	[sflag:s15] =	ssyncadd.s32 $0xFFFFD880  }
0x18: {  	[tilespmem:s3], [sflag:$0x7] =	stream.linear.gather [hbm4b:s10+s3], $0x2800, $0x38;
	[tilespmem:$0x1E500] =	vst v63  }
0x19: {  	_ =	swait.ge [sflag:s15], $0x2800  }
0x1a: {  	[sflag:s15] =	ssyncset.done $0x0  }
0x1b: {  	[sflag:s15] =	ssyncadd.s32 $0xFFFFD800  }
0x1c: {  	[bflag:$0x0] =	sbarrier.arrive $0xFFFF  }
0x1d: {  	[tilespmem:s16], [sflag:$0x3] =	stream.linear.gather [hbm4b:s9+s3], $0x80, $0x38;
	[tilespmem:$0x1E500] =	vst v63  }
0x1e: {  	_ = 	snop  }
0x1f: {  	[tilespmem:s18], [sflag:$0x1] =	stream.indirect.gather [hbm4b:s4+s17], $0x80, s3, s17, $0xb8;
	[tilespmem:$0x1E500] =	vst v63  }
0x20: {  	_ = 	snop  }
0x21: {  	[tilespmem:s19], [sflag:$0x4] =	stream.linear.gather [hbm4b:s11+s3], $0x80, $0x38;
	[tilespmem:$0x1E500] =	vst v63  }
0x22: {  	_ = 	snop  }
0x23: {  	[tilespmem:s20], [sflag:$0x2] =	stream.indirect.gather [hbm4b:s4+s17], $0x80, s17, s17, $0xb8;
	[tilespmem:$0x1E500] =	vst v63  }
0x24: {  	_ =	swait.ge [sflag:s21], $0x4000  }
0x25: {  	[sflag:s21] =	ssyncset.done $0x0  }
0x26: {  	[sflag:s21] =	ssyncadd.s32 $0xFFFFC000  }
0x27: {  	s29 =	simm.s32 $0x100;
	_ =	swait.ge [sflag:s22], $0x80  }
0x28: {  	s30 =	sand.u32 $0x7C00, s29;
	[sflag:s22] =	ssyncset.done $0x0  }
0x29: {  	s29 =	sand.u32 $0x300, s29;
	s30 =	sadd.s32 s6, s30;
	[sflag:s22] =	ssyncadd.s32 $0xFFFFFF80  }
0x2a: {  	[spmem:s1] =	stream.indirect.scatter.add.f32 [tilespmem:s18], [sflag:$0x5], $0x80, s16, s17, $0xb8;
	[tilespmem:$0x1E500] =	vst v63  }
0x2b: {  	s29 =	sor.u32 s29, s30;
	_ =	swait.ge [sflag:s23], $0x4000  }
0x2c: {  	s29 =	sshrl.u32 s29, $0x3;
	[sflag:s23] =	ssyncset.done $0x0  }
0x2d: {  	s29 =	sadd.s32 s5, s29;
	[sflag:s23] =	ssyncadd.s32 $0xFFFFC000  }
0x2e: {  	[tilespmem:s16], [sflag:$0x3] =	stream.linear.gather [hbm4b:s29+s3], $0x80, $0x38;
	[tilespmem:$0x1E500] =	vst v63  }
0x2f: {  	s29 =	simm.s32 $0x100  }
0x30: {  	[tilespmem:s18], [sflag:$0x1] =	stream.indirect.gather [hbm4b:s4+s17], $0x80, s29, s17, $0xb8;
	[tilespmem:$0x1E500] =	vst v63  }
0x31: {  	_ =	swait.ge [sflag:s24], $0x4000  }
0x32: {  	[sflag:s24] =	ssyncset.done $0x0  }
0x33: {  	[sflag:s24] =	ssyncadd.s32 $0xFFFFC000  }
0x34: {  	s29 =	simm.s32 $0x180;
	_ =	swait.ge [sflag:s25], $0x80  }
0x35: {  	s30 =	sand.u32 $0x7C00, s29;
	[sflag:s25] =	ssyncset.done $0x0  }
0x36: {  	s29 =	sand.u32 $0x380, s29;
	s30 =	sadd.s32 s6, s30;
	[sflag:s25] =	ssyncadd.s32 $0xFFFFFF80  }
0x37: {  	[spmem:s1] =	stream.indirect.scatter.add.f32 [tilespmem:s20], [sflag:$0x6], $0x80, s19, s17, $0xb8;
	[tilespmem:$0x1E500] =	vst v63  }
0x38: {  	s29 =	sor.u32 s29, s30;
	_ =	swait.ge [sflag:s26], $0x4000  }
0x39: {  	s29 =	sshrl.u32 s29, $0x3;
	[sflag:s26] =	ssyncset.done $0x0  }
0x3a: {  	s29 =	sadd.s32 s5, s29;
	[sflag:s26] =	ssyncadd.s32 $0xFFFFC000  }
0x3b: {  	[tilespmem:s19], [sflag:$0x4] =	stream.linear.gather [hbm4b:s29+s3], $0x80, $0x38;
	[tilespmem:$0x1E500] =	vst v63  }
0x3c: {  	s31 =	simm.s32 $0x200;
	s30 =	simm.s32 $0x180;
	s29 =	simm.s32 $0x280  }
.LBB2_2:
0x3d: {  	s0 =	sadd.s32 $0x80, s31  }
0x3e: {  	p0 =	sne.s32 s29, $0x2780;
	s2 =	smov.u32 s29;
	s29 =	sadd.s32 $0x100, s29  }
0x3f: {  	[tilespmem:s20], [sflag:$0x2] =	stream.indirect.gather [hbm4b:s4+s17], $0x80, s30, s17, $0xb8;
	[tilespmem:$0x1E500] =	vst v63  }
0x40: {  	s30 =	smov.u32 s0;
	_ =	swait.ge [sflag:s21], $0x4000  }
0x41: {  	[sflag:s21] =	ssyncset.done $0x0  }
0x42: {  	[sflag:s21] =	ssyncadd.s32 $0xFFFFC000  }
0x43: {  	_ =	swait.ge [sflag:s22], $0x80  }
0x44: {  	s0 =	sadd.s32 $0xFFFFFF80, s2;
	[sflag:s22] =	ssyncset.done $0x0  }
0x45: {  	s7 =	sand.u32 $0x7C00, s0;
	s0 =	sand.u32 $0x300, s0;
	[sflag:s22] =	ssyncadd.s32 $0xFFFFFF80  }
0x46: {  	[spmem:s1] =	stream.indirect.scatter.add.f32 [tilespmem:s18], [sflag:$0x5], $0x80, s16, s17, $0xb8;
	[tilespmem:$0x1E500] =	vst v63  }
0x47: {  	s7 =	sadd.s32 s6, s7;
	_ =	swait.ge [sflag:s23], $0x4000  }
0x48: {  	s0 =	sor.u32 s0, s7;
	[sflag:s23] =	ssyncset.done $0x0  }
0x49: {  	s0 =	sshrl.u32 s0, $0x3;
	[sflag:s23] =	ssyncadd.s32 $0xFFFFC000  }
0x4a: {  	s0 =	sadd.s32 s5, s0  }
0x4b: {  	[tilespmem:s16], [sflag:$0x3] =	stream.linear.gather [hbm4b:s0+s3], $0x80, $0x38;
	[tilespmem:$0x1E500] =	vst v63  }
0x4c: {  	_ = 	snop  }
0x4d: {  	[tilespmem:s18], [sflag:$0x1] =	stream.indirect.gather [hbm4b:s4+s17], $0x80, s31, s17, $0xb8;
	[tilespmem:$0x1E500] =	vst v63  }
0x4e: {  	_ =	swait.ge [sflag:s24], $0x4000  }
0x4f: {  	[sflag:s24] =	ssyncset.done $0x0  }
0x50: {  	[sflag:s24] =	ssyncadd.s32 $0xFFFFC000  }
0x51: {  	_ =	swait.ge [sflag:s25], $0x80  }
0x52: {  	s0 =	sand.u32 $0x7C00, s2;
	[sflag:s25] =	ssyncset.done $0x0  }
0x53: {  	s2 =	sand.u32 $0x380, s2;
	s0 =	sadd.s32 s6, s0;
	[sflag:s25] =	ssyncadd.s32 $0xFFFFFF80  }
0x54: {  	[spmem:s1] =	stream.indirect.scatter.add.f32 [tilespmem:s20], [sflag:$0x6], $0x80, s19, s17, $0xb8;
	[tilespmem:$0x1E500] =	vst v63  }
.Ltmp0:
0x55: {  	_ = 	snop;
	(pc) =	sbr.rel @p0 .LBB2_2-.Ltmp0, $4  }
0x56: {  	s0 =	sor.u32 s2, s0;
	_ =	swait.ge [sflag:s26], $0x4000  }
0x57: {  	s0 =	sshrl.u32 s0, $0x3;
	[sflag:s26] =	ssyncset.done $0x0  }
0x58: {  	s31 =	sadd.s32 $0x100, s31;
	s0 =	sadd.s32 s5, s0;
	[sflag:s26] =	ssyncadd.s32 $0xFFFFC000  }
0x59: {  	[tilespmem:s19], [sflag:$0x4] =	stream.linear.gather [hbm4b:s0+s3], $0x80, $0x38;
	[tilespmem:$0x1E500] =	vst v63  }
0x5a: {  	[tilespmem:s20], [sflag:$0x2] =	stream.indirect.gather [hbm4b:s4+s17], $0x80, s30, s17, $0xb8;
	[tilespmem:$0x1E500] =	vst v63  }
0x5b: {  	_ =	swait.ge [sflag:s21], $0x4000  }
0x5c: {  	[sflag:s21] =	ssyncset.done $0x0  }
0x5d: {  	[sflag:s21] =	ssyncadd.s32 $0xFFFFC000  }
0x5e: {  	_ =	swait.ge [sflag:s22], $0x80  }
0x5f: {  	[sflag:s22] =	ssyncset.done $0x0  }
0x60: {  	[sflag:s22] =	ssyncadd.s32 $0xFFFFFF80  }
0x61: {  	[spmem:s1] =	stream.indirect.scatter.add.f32 [tilespmem:s18], [sflag:$0x5], $0x80, s16, s17, $0xb8;
	[tilespmem:$0x1E500] =	vst v63  }
0x62: {  	_ =	swait.ge [sflag:s23], $0x4000  }
0x63: {  	[sflag:s23] =	ssyncset.done $0x0  }
0x64: {  	[sflag:s23] =	ssyncadd.s32 $0xFFFFC000  }
0x65: {  	_ =	swait.ge [sflag:s24], $0x4000  }
0x66: {  	[sflag:s24] =	ssyncset.done $0x0  }
0x67: {  	[sflag:s24] =	ssyncadd.s32 $0xFFFFC000  }
0x68: {  	_ =	swait.ge [sflag:s25], $0x80  }
0x69: {  	[sflag:s25] =	ssyncset.done $0x0  }
0x6a: {  	[sflag:s25] =	ssyncadd.s32 $0xFFFFFF80  }
0x6b: {  	[spmem:s1] =	stream.indirect.scatter.add.f32 [tilespmem:s20], [sflag:$0x6], $0x80, s19, s17, $0xb8;
	[tilespmem:$0x1E500] =	vst v63  }
0x6c: {  	_ =	swait.ge [sflag:s26], $0x4000  }
0x6d: {  	s28 =	sadd.s32 $0x1, s28;
	[sflag:s26] =	ssyncset.done $0x0  }
0x6e: {  	p0 =	sne.s32 s28, s13;
	[sflag:s26] =	ssyncadd.s32 $0xFFFFC000  }
.Ltmp1:
0x6f: {  	[bflag:$0x0] =	sbarrier.arrive $0xFFFF;
	(pc) =	sbr.rel @p0 .LBB2_1-.Ltmp1, $4  }
0x70: {  	[hbm:s12], [sflag:s8] =	dma.local [spmem:s14], $0x2780  }
0x71: {  	_ =	swait.ge [sflag:s15], $0x2780  }
0x72: {  	[sflag:s15] =	ssyncset.done $0x0  }
0x73: {  	[sflag:s15] =	ssyncadd.s32 $0xFFFFD880  }
0x74: {  	_ =	sfence.sel $0x180000  }
0x75: {  	[bflag:$0x0] =	sbarrier.arrive $0xFFFF  }
0x76: {  	_ =	strace $0x90000047  }
0x77: {  	s0 =	stileid.u32;
	[bflag:$0x2] =	sbarrier.arrive $0xFFFF  }
0x78: {  	p0 =	sne.s32 s0, $0x0;
	s0 =	rddreg [dreg:$0x3]  }
0x79: {  	s0 =	sadd.s32 @!p0 $0x100000, s0  }
0x7a: {  	[sflag:s0] =	ssyncadd.tile.s32 @!p0 $0x1;
	_ =	shalt  }
.Lfunc_end2:
_tile_overlayer_lowered:
.L_overlay_start_2:
0x7b: {  	(tag) =	ssettag $0x2  }
0x7c: {  	s0 =	rddreg [dreg:$0x0];
	s2 =	stileid.u32  }
0x7d: {  	s1 =	rddreg [dreg:$0x1];
	p0 =	sne.s32 s2, $0x0  }
0x7e: {  	s3 =	rddreg [dreg:$0x2];
	[bflag:$0x3] =	sbarrier.arrive $0xFFFF;
	s2 =	simm.s32 @!p0 $0x1C07  }
0x7f: {  	[timem:s3], [sflag:s2] =	dma.local @!p0 [hbm:s0], s1  }
0x80: {  	s0 =	simm.s32 @!p0 $0x7  }
0x81: {  	_ =	swait.ge @!p0 [sflag:s0], s1  }
0x82: {  	s1 =	ssub.s32 @!p0 $0x0, s1;
	[sflag:s0] =	ssyncset.done @!p0 $0x0  }
0x83: {  	[sflag:s0] =	ssyncadd.s32 @!p0 s1  }
0x84: {  	[bflag:$0x3] =	sbarrier.arrive $0xFFFF  }
0x85: {  	_ =	shalt  }

</sc_bundles>
